<compile_context>
chip_gen: v7x
topology: tpu7x:2x2x1
jax: 0.10.2.dev20260603
libtpu: 0.0.44.dev20260713+nightly
codegen_flags: <defaults>
</compile_context>

<pallas_src>
import functools

import jax
import jax.numpy as jnp
from jax import lax
from jax.experimental import pallas as pl
from jax.experimental.pallas import tpu as pltpu
from jax.experimental.pallas import tpu_sc as plsc

_SC_NC = 2
_SC_NS = 16
_SC_NW = _SC_NC * _SC_NS
_CT = 32


def _sc_gather(table, idx):
    n = idx.shape[0]
    d = table.shape[1]
    b_per_w = n // _SC_NW
    chunk = min(128, b_per_w)
    n_chunks = b_per_w // chunk
    mesh = plsc.VectorSubcoreMesh(core_axis_name="c", subcore_axis_name="s")

    @functools.partial(
        pl.kernel, mesh=mesh,
        out_type=jax.ShapeDtypeStruct((n, d), jnp.float32),
        scratch_types=[
            pltpu.VMEM((chunk,), jnp.int32),
            pltpu.VMEM((chunk, d), jnp.float32),
            pltpu.SemaphoreType.DMA,
        ],
    )
    def k(table_hbm, idx_hbm, out_hbm, idx_v, rows_v, sem):
        wid = lax.axis_index("s") * _SC_NC + lax.axis_index("c")
        base = wid * b_per_w
        for j in range(n_chunks):
            off = base + j * chunk
            pltpu.sync_copy(idx_hbm.at[pl.ds(off, chunk)], idx_v)
            pltpu.async_copy(table_hbm.at[idx_v], rows_v, sem).wait()
            pltpu.sync_copy(rows_v, out_hbm.at[pl.ds(off, chunk)])

    return k(table, idx)


def _lstm_em_body(xf_ref, xb_ref, wif_ref, whf_ref, bf_ref, wib_ref, whb_ref,
                  bb_ref, wof_ref, wob_ref, emf_ref, embr_ref,
                  xwf, xwb, hsf, hsb, hc):
    i = pl.program_id(0)
    B = hc.shape[1]
    H = hc.shape[2]
    G = 4 * H
    nstep = xwf.shape[0] // B

    @pl.when(i == 0)
    def _init():
        hc[...] = jnp.zeros((4, B, H), jnp.float32)

    nt = 256
    xfb = xf_ref[...].astype(jnp.bfloat16)
    xbb = xb_ref[...].astype(jnp.bfloat16)
    for j in range(G // nt):
        sl = pl.ds(j * nt, nt)
        xwf[:, sl] = (jnp.dot(xfb, wif_ref[:, sl],
                              preferred_element_type=jnp.float32)
                      + bf_ref[0:1, sl])
        xwb[:, sl] = (jnp.dot(xbb, wib_ref[:, sl],
                              preferred_element_type=jnp.float32)
                      + bb_ref[0:1, sl])

    def step(t, carry):
        hf, cf, hb, cb = carry
        rows = pl.ds(t * B, B)

        gf = xwf[rows, :] + jnp.dot(hf.astype(jnp.bfloat16), whf_ref[...],
                                    preferred_element_type=jnp.float32)
        gb = xwb[rows, :] + jnp.dot(hb.astype(jnp.bfloat16), whb_ref[...],
                                    preferred_element_type=jnp.float32)
        cnf = (jax.nn.sigmoid(gf[:, H:2 * H]) * cf
               + jax.nn.sigmoid(gf[:, 0:H]) * jnp.tanh(gf[:, 2 * H:3 * H]))
        hnf = jax.nn.sigmoid(gf[:, 3 * H:G]) * jnp.tanh(cnf)
        hsf[rows, :] = hnf
        cnb = (jax.nn.sigmoid(gb[:, H:2 * H]) * cb
               + jax.nn.sigmoid(gb[:, 0:H]) * jnp.tanh(gb[:, 2 * H:3 * H]))
        hnb = jax.nn.sigmoid(gb[:, 3 * H:G]) * jnp.tanh(cnb)
        hsb[rows, :] = hnb
        return (hnf, cnf, hnb, cnb)

    carry = (hc[0], hc[1], hc[2], hc[3])
    carry = lax.fori_loop(0, nstep, step, carry, unroll=2)
    hc[0] = carry[0]
    hc[1] = carry[1]
    hc[2] = carry[2]
    hc[3] = carry[3]

    emf_ref[...] = jnp.dot(hsf[...].astype(jnp.bfloat16), wof_ref[...],
                           preferred_element_type=jnp.float32)
    embr_ref[...] = jnp.dot(hsb[...].astype(jnp.bfloat16), wob_ref[...],
                            preferred_element_type=jnp.float32)


def _lstm_em(x_all, Wif, Whf, bf2, Wib, Whb, bb2, Wof, Wob, B):
    E = x_all.shape[1]
    H = Whf.shape[0]
    G = 4 * H
    L = Wof.shape[1]
    T = x_all.shape[0] // (2 * B)
    ct = min(_CT, T)
    nblk = T // ct
    rpb = ct * B

    out_sh = jax.ShapeDtypeStruct((T * B, L), jnp.float32)
    em_f, em_b_r = pl.pallas_call(
        _lstm_em_body,
        grid=(nblk,),
        in_specs=[
            pl.BlockSpec((rpb, E), lambda i: (i, 0)),
            pl.BlockSpec((rpb, E), lambda i, n=nblk: (i + n, 0)),
            pl.BlockSpec((E, G), lambda i: (0, 0)),
            pl.BlockSpec((H, G), lambda i: (0, 0)),
            pl.BlockSpec((B, G), lambda i: (0, 0)),
            pl.BlockSpec((E, G), lambda i: (0, 0)),
            pl.BlockSpec((H, G), lambda i: (0, 0)),
            pl.BlockSpec((B, G), lambda i: (0, 0)),
            pl.BlockSpec((H, L), lambda i: (0, 0)),
            pl.BlockSpec((H, L), lambda i: (0, 0)),
        ],
        out_specs=[
            pl.BlockSpec((rpb, L), lambda i: (i, 0)),
            pl.BlockSpec((rpb, L), lambda i: (i, 0)),
        ],
        out_shape=[out_sh, out_sh],
        scratch_shapes=[
            pltpu.VMEM((rpb, G), jnp.float32),
            pltpu.VMEM((rpb, G), jnp.float32),
            pltpu.VMEM((rpb, H), jnp.float32),
            pltpu.VMEM((rpb, H), jnp.float32),
            pltpu.VMEM((4, B, H), jnp.float32),
        ],
    )(x_all, x_all, Wif, Whf, bf2, Wib, Whb, bb2, Wof, Wob)
    return em_f, em_b_r


def _crf_body(emf_ref, emb_ref, expTT_ref, start_ref, end_ref, bout_ref,
              lens_ref, out_ref, E, D):
    B = lens_ref.shape[0]
    TB = emf_ref.shape[0]
    T = TB // B
    L = start_ref.shape[1]
    M = jnp.exp(expTT_ref[...])
    lens = lens_ref[:, 0:1]
    bout_row = bout_ref[0:1, :]

    chunk = 256
    for j in range(TB // chunk):
        rows = pl.ds(j * chunk, chunk)
        em = (emf_ref[rows, 0:L] + emb_ref[rows, 0:L]
              + jnp.broadcast_to(bout_row, (chunk, L)))
        d = jnp.max(em, axis=1, keepdims=True) + 2.08
        E[rows, :] = jnp.exp(em - d)
        D[rows, :] = d

    s0 = (emf_ref[0:B, 0:L] + emb_ref[0:B, 0:L] + bout_ref[...]
          + start_ref[...])
    mx0 = jnp.max(s0, axis=1, keepdims=True)
    w0 = jnp.exp(s0 - mx0)

    def step(t, carry):
        w, acc = carry
        rows = pl.ds(t * B, B)
        inv_r = 1.0 / jnp.max(w, axis=1, keepdims=True)
        p = jnp.dot(w, M, preferred_element_type=jnp.float32)
        wn = E[rows, :] * p * inv_r
        accn = acc + D[rows, :] - jnp.log(inv_r)
        m = lens > t.astype(jnp.float32)
        return (jnp.where(m, wn, w), jnp.where(m, accn, acc))

    w, acc = lax.fori_loop(1, T, step, (w0, mx0), unroll=2)
    q = w * jnp.exp(end_ref[...])
    out_ref[...] = jnp.log(jnp.sum(q, axis=1, keepdims=True)) + acc


def _crf(em_f, em_b, expTT, start_b, end_b, bout_b, lens_b):
    B = lens_b.shape[0]
    L = start_b.shape[1]
    TB = em_f.shape[0]
    out = pl.pallas_call(
        _crf_body,
        out_shape=jax.ShapeDtypeStruct((B, 1), jnp.float32),
        scratch_shapes=[
            pltpu.VMEM((TB, L), jnp.float32),
            pltpu.VMEM((TB, 1), jnp.float32),
        ],
    )(em_f, em_b, expTT, start_b, end_b, bout_b, lens_b)
    return out


def kernel(tokens, lengths, embed, W_ih_f, W_hh_f, b_f, W_ih_b, W_hh_b, b_b,
           W_out, b_out, start_transition, transitions, end_transition):
    B, T = tokens.shape
    H = W_hh_f.shape[0]
    L = transitions.shape[0]

    ar = jnp.arange(T)
    pos = jnp.clip(lengths[:, None] - 1 - ar[None, :], 0, T - 1)
    tokens_r = jnp.take_along_axis(tokens, pos, axis=1)

    idx_f = tokens.T.reshape(-1)
    idx_b = tokens_r.T.reshape(-1)
    idx_all = jnp.concatenate([idx_f, idx_b]).astype(jnp.int32)
    x_all = _sc_gather(embed, idx_all)

    lens_b = jnp.broadcast_to(lengths.astype(jnp.float32)[:, None], (B, 128))
    bf2 = jnp.broadcast_to(b_f[None, :], (B, 4 * H))
    bb2 = jnp.broadcast_to(b_b[None, :], (B, 4 * H))
    lpad = 128 - L
    wof = jnp.pad(W_out[:H], ((0, 0), (0, lpad))).astype(jnp.bfloat16)
    wob = jnp.pad(W_out[H:], ((0, 0), (0, lpad))).astype(jnp.bfloat16)
    em_f, em_b_r = _lstm_em(x_all, W_ih_f.astype(jnp.bfloat16),
                            W_hh_f.astype(jnp.bfloat16), bf2,
                            W_ih_b.astype(jnp.bfloat16),
                            W_hh_b.astype(jnp.bfloat16), bb2,
                            wof, wob, B)

    ridx = (pos.T * B + jnp.arange(B)[None, :]).reshape(-1).astype(jnp.int32)
    em_b = _sc_gather(em_b_r, ridx)

    expTT = transitions.T
    start_b = jnp.broadcast_to(start_transition[None, :], (B, L))
    end_b = jnp.broadcast_to(end_transition[None, :], (B, L))
    bout_b = jnp.broadcast_to(b_out[None, :], (B, L))
    out = _crf(em_f, em_b, expTT, start_b, end_b, bout_b, lens_b)
    return out.reshape(B)

# --- scband reference (transcript-rebuilt; emitter-appended) ---
"""Pipeline reference for scband-bi-lstmcrf-24618752540675 (READ-ONLY COPY).

The authoritative reference and input builder live on the scoring server;
editing this copy changes nothing except your own understanding.
"""

import jax, jax.numpy as jnp
import numpy as np

V = 50000; E = 256; H = 512; L = 64; B = 8; T = 512

def setup_inputs(seed: int = 0):
    key = jax.random.key(seed)
    ks = jax.random.split(key, 12)
    tokens = jax.random.randint(ks[0], (B, T), 0, V)
    lengths = jnp.clip(jax.random.randint(ks[1], (B,), 0, T), 1, T)
    embed = jax.random.normal(ks[2], (V, E), dtype=jnp.float32) * 0.02
    W_ih_f = jax.random.normal(ks[3], (E, 4 * H), dtype=jnp.float32) * 0.05
    W_hh_f = jax.random.normal(ks[4], (H, 4 * H), dtype=jnp.float32) * 0.05
    b_f = jnp.zeros((4 * H,), dtype=jnp.float32)
    W_ih_b = jax.random.normal(ks[5], (E, 4 * H), dtype=jnp.float32) * 0.05
    W_hh_b = jax.random.normal(ks[6], (H, 4 * H), dtype=jnp.float32) * 0.05
    b_b = jnp.zeros((4 * H,), dtype=jnp.float32)
    W_out = jax.random.normal(ks[7], (2 * H, L), dtype=jnp.float32) * 0.05
    b_out = jnp.zeros((L,), dtype=jnp.float32)
    start_transition = jax.random.normal(ks[8], (L,), dtype=jnp.float32) * 0.1
    transitions = jax.random.normal(ks[9], (L, L), dtype=jnp.float32) * 0.1
    end_transition = jax.random.normal(ks[10], (L,), dtype=jnp.float32) * 0.1
    return {"tokens": tokens, "lengths": lengths, "embed": embed,
            "W_ih_f": W_ih_f, "W_hh_f": W_hh_f, "b_f": b_f,
            "W_ih_b": W_ih_b, "W_hh_b": W_hh_b, "b_b": b_b,
            "W_out": W_out, "b_out": b_out,
            "start_transition": start_transition, "transitions": transitions,
            "end_transition": end_transition}

def _reverse_padded(x, lengths):
    Tn = x.shape[1]
    ar = jnp.arange(Tn)
    idx = jnp.clip(lengths[:, None] - 1 - ar[None, :], 0, Tn - 1)
    return jnp.take_along_axis(x, idx[:, :, None], axis=1)

def _lstm(x, mask, W_ih, W_hh, b):
    Bn = x.shape[0]
    Hn = W_hh.shape[0]
    def step(carry, inp):
        h, c = carry
        x_t, m = inp
        gates = x_t @ W_ih + h @ W_hh + b
        i, f, g, o = jnp.split(gates, 4, axis=-1)
        c_new = jax.nn.sigmoid(f) * c + jax.nn.sigmoid(i) * jnp.tanh(g)
        h_new = jax.nn.sigmoid(o) * jnp.tanh(c_new)
        m_ = m[:, None]
        h2 = m_ * h_new + (1.0 - m_) * h
        c2 = m_ * c_new + (1.0 - m_) * c
        return (h2, c2), h2
    init = (jnp.zeros((Bn, Hn), dtype=jnp.float32), jnp.zeros((Bn, Hn), dtype=jnp.float32))
    xs = (jnp.swapaxes(x, 0, 1), jnp.swapaxes(mask, 0, 1))
    _, hs = jax.lax.scan(step, init, xs)
    return jnp.swapaxes(hs, 0, 1)

def reference(tokens, lengths, embed, W_ih_f, W_hh_f, b_f, W_ih_b, W_hh_b, b_b, W_out, b_out, start_transition, transitions, end_transition):
    mask = (jnp.arange(T)[None, :] < lengths[:, None]).astype(jnp.float32)
    x = jnp.take(embed, tokens, axis=0)
    h_f = _lstm(x, mask, W_ih_f, W_hh_f, b_f)
    x_r = _reverse_padded(x, lengths)
    h_b_r = _lstm(x_r, mask, W_ih_b, W_hh_b, b_b)
    h_b = _reverse_padded(h_b_r, lengths)
    feats = jnp.concatenate([h_f, h_b], axis=-1)
    emissions = feats @ W_out + b_out
    score = emissions[:, 0] + start_transition
    def crf_step(s, inp):
        em_t, m = inp
        new = em_t + jax.nn.logsumexp(s[:, None, :] + transitions[None, :, :], axis=-1)
        m_ = m[:, None]
        return m_ * new + (1.0 - m_) * s, None
    xs = (jnp.swapaxes(emissions[:, 1:], 0, 1), jnp.swapaxes(mask[:, 1:], 0, 1))
    score, _ = jax.lax.scan(crf_step, score, xs)
    score = score + end_transition
    return jax.nn.logsumexp(score, axis=-1)

if __name__ == "__main__":
    import jax
    _d = setup_inputs()
    print(jax.jit(kernel)(*tuple(_d.values())))

</pallas_src>

<mosaic_0001>
#map = affine_map<(d0, d1) -> (0, 0)>
#map1 = affine_map<(d0, d1) -> (0)>
module attributes {stable_mosaic.version = 14 : i64} {
  func.func @k(%arg0: i32, %arg1: i32, %arg2: memref<50000x256xf32, #tpu.memory_space<hbm>>, %arg3: memref<8192xi32, #tpu.memory_space<hbm>>, %arg4: memref<8192x256xf32, #tpu.memory_space<hbm>>, %arg5: memref<128xi32, #tpu.memory_space<vmem>>, %arg6: memref<128x256xf32, #tpu.memory_space<vmem>>, %arg7: memref<!tpu.dma_semaphore, #tpu.memory_space<semaphore_mem>>) attributes {dimension_semantics = [#tpu.dimension_semantics<core_parallel>, #tpu.dimension_semantics<subcore_parallel>], iteration_bounds = array<i64: 2, 16>, scalar_prefetch = 0 : i64, scratch_operands = 3 : i64, tpu.core_type = #tpu.core_type<sc_vector_subcore>, window_params = [{transform_indices = #map}, {transform_indices = #map1}, {transform_indices = #map}]} {
    %mul3A = arith.constant 2 : i32
    %mul3A_0 = arith.muli %arg1, %mul3A : i32
    %add3A = arith.addi %mul3A_0, %arg0 : i32
    %mul3A_1 = arith.constant 256 : i32
    %mul3A_2 = arith.muli %add3A, %mul3A_1 : i32
    %add3A_3 = arith.constant 0 : i32
    %add3A_4 = arith.addi %mul3A_2, %add3A_3 : i32
    "tpu.region"() ({
      %run_scoped3A = tpu.sem_alloc : memref<!tpu.dma_semaphore, #tpu.memory_space<semaphore_mem>>
      %dma_start3A_17 = tpu.memref_slice %arg3[%add3A_4] : memref<8192xi32, #tpu.memory_space<hbm>> -> memref<128xi32, #tpu.memory_space<hbm>>
      %dma_start3A_18 = tpu.memref_slice %arg3[%add3A_4] : memref<8192xi32, #tpu.memory_space<hbm>> -> memref<128xi32, #tpu.memory_space<hbm>>
      tpu.enqueue_dma source(%dma_start3A_18 : memref<128xi32, #tpu.memory_space<hbm>>) target(%arg5 : memref<128xi32, #tpu.memory_space<vmem>>) target_semaphore(%run_scoped3A : memref<!tpu.dma_semaphore, #tpu.memory_space<semaphore_mem>>)
      %dma_wait3A_19 = tpu.memref_slice %arg3[%add3A_4] : memref<8192xi32, #tpu.memory_space<hbm>> -> memref<128xi32, #tpu.memory_space<hbm>>
      %dma_wait3A_20 = tpu.memref_slice %arg3[%add3A_4] : memref<8192xi32, #tpu.memory_space<hbm>> -> memref<128xi32, #tpu.memory_space<hbm>>
      tpu.wait_dma2 semaphore(%run_scoped3A : memref<!tpu.dma_semaphore, #tpu.memory_space<semaphore_mem>>) src(%dma_wait3A_20 : memref<128xi32, #tpu.memory_space<hbm>>) dst(%arg5 : memref<128xi32, #tpu.memory_space<vmem>>)
      tpu.yield
    }) : () -> ()
    %dma_start3A = arith.constant 0 : i32
    %dma_start3A_5 = arith.constant 0 : i32
    %dma_start3A_6 = tpu.memref_slice %arg2[%dma_start3A, %dma_start3A_5] : memref<50000x256xf32, #tpu.memory_space<hbm>> -> memref<50000x256xf32, #tpu.memory_space<hbm>>
    tpu.enqueue_indirect_dma source(%dma_start3A_6 : memref<50000x256xf32, #tpu.memory_space<hbm>>) target(%arg6 : memref<128x256xf32, #tpu.memory_space<vmem>>) offsets(%arg5 : memref<128xi32, #tpu.memory_space<vmem>>) semaphore(%arg7 : memref<!tpu.dma_semaphore, #tpu.memory_space<semaphore_mem>>)
    %dma_wait3A = arith.constant 0 : i32
    %dma_wait3A_7 = arith.constant 0 : i32
    %dma_wait3A_8 = tpu.memref_slice %arg2[%dma_wait3A, %dma_wait3A_7] : memref<50000x256xf32, #tpu.memory_space<hbm>> -> memref<50000x256xf32, #tpu.memory_space<hbm>>
    tpu.wait_indirect_dma semaphore(%arg7 : memref<!tpu.dma_semaphore, #tpu.memory_space<semaphore_mem>>) src(%dma_wait3A_8 : memref<50000x256xf32, #tpu.memory_space<hbm>>) dst(%arg6 : memref<128x256xf32, #tpu.memory_space<vmem>>)
    "tpu.region"() ({
      %run_scoped3A = tpu.sem_alloc : memref<!tpu.dma_semaphore, #tpu.memory_space<semaphore_mem>>
      %dma_start3A_17 = arith.constant 0 : i32
      %dma_start3A_18 = tpu.memref_slice %arg4[%add3A_4, %dma_start3A_17] : memref<8192x256xf32, #tpu.memory_space<hbm>> -> memref<128x256xf32, #tpu.memory_space<hbm>>
      %dma_start3A_19 = arith.constant 0 : i32
      %dma_start3A_20 = tpu.memref_slice %arg4[%add3A_4, %dma_start3A_19] : memref<8192x256xf32, #tpu.memory_space<hbm>> -> memref<128x256xf32, #tpu.memory_space<hbm>>
      tpu.enqueue_dma source(%arg6 : memref<128x256xf32, #tpu.memory_space<vmem>>) target(%dma_start3A_20 : memref<128x256xf32, #tpu.memory_space<hbm>>) target_semaphore(%run_scoped3A : memref<!tpu.dma_semaphore, #tpu.memory_space<semaphore_mem>>)
      %dma_wait3A_21 = arith.constant 0 : i32
      %dma_wait3A_22 = tpu.memref_slice %arg4[%add3A_4, %dma_wait3A_21] : memref<8192x256xf32, #tpu.memory_space<hbm>> -> memref<128x256xf32, #tpu.memory_space<hbm>>
      %dma_wait3A_23 = arith.constant 0 : i32
      %dma_wait3A_24 = tpu.memref_slice %arg4[%add3A_4, %dma_wait3A_23] : memref<8192x256xf32, #tpu.memory_space<hbm>> -> memref<128x256xf32, #tpu.memory_space<hbm>>
      tpu.wait_dma2 semaphore(%run_scoped3A : memref<!tpu.dma_semaphore, #tpu.memory_space<semaphore_mem>>) src(%arg6 : memref<128x256xf32, #tpu.memory_space<vmem>>) dst(%dma_wait3A_24 : memref<128x256xf32, #tpu.memory_space<hbm>>)
      tpu.yield
    }) : () -> ()
    %add3A_9 = arith.constant 128 : i32
    %add3A_10 = arith.addi %mul3A_2, %add3A_9 : i32
    "tpu.region"() ({
      %run_scoped3A = tpu.sem_alloc : memref<!tpu.dma_semaphore, #tpu.memory_space<semaphore_mem>>
      %dma_start3A_17 = tpu.memref_slice %arg3[%add3A_10] : memref<8192xi32, #tpu.memory_space<hbm>> -> memref<128xi32, #tpu.memory_space<hbm>>
      %dma_start3A_18 = tpu.memref_slice %arg3[%add3A_10] : memref<8192xi32, #tpu.memory_space<hbm>> -> memref<128xi32, #tpu.memory_space<hbm>>
      tpu.enqueue_dma source(%dma_start3A_18 : memref<128xi32, #tpu.memory_space<hbm>>) target(%arg5 : memref<128xi32, #tpu.memory_space<vmem>>) target_semaphore(%run_scoped3A : memref<!tpu.dma_semaphore, #tpu.memory_space<semaphore_mem>>)
      %dma_wait3A_19 = tpu.memref_slice %arg3[%add3A_10] : memref<8192xi32, #tpu.memory_space<hbm>> -> memref<128xi32, #tpu.memory_space<hbm>>
      %dma_wait3A_20 = tpu.memref_slice %arg3[%add3A_10] : memref<8192xi32, #tpu.memory_space<hbm>> -> memref<128xi32, #tpu.memory_space<hbm>>
      tpu.wait_dma2 semaphore(%run_scoped3A : memref<!tpu.dma_semaphore, #tpu.memory_space<semaphore_mem>>) src(%dma_wait3A_20 : memref<128xi32, #tpu.memory_space<hbm>>) dst(%arg5 : memref<128xi32, #tpu.memory_space<vmem>>)
      tpu.yield
    }) : () -> ()
    %dma_start3A_11 = arith.constant 0 : i32
    %dma_start3A_12 = arith.constant 0 : i32
    %dma_start3A_13 = tpu.memref_slice %arg2[%dma_start3A_11, %dma_start3A_12] : memref<50000x256xf32, #tpu.memory_space<hbm>> -> memref<50000x256xf32, #tpu.memory_space<hbm>>
    tpu.enqueue_indirect_dma source(%dma_start3A_13 : memref<50000x256xf32, #tpu.memory_space<hbm>>) target(%arg6 : memref<128x256xf32, #tpu.memory_space<vmem>>) offsets(%arg5 : memref<128xi32, #tpu.memory_space<vmem>>) semaphore(%arg7 : memref<!tpu.dma_semaphore, #tpu.memory_space<semaphore_mem>>)
    %dma_wait3A_14 = arith.constant 0 : i32
    %dma_wait3A_15 = arith.constant 0 : i32
    %dma_wait3A_16 = tpu.memref_slice %arg2[%dma_wait3A_14, %dma_wait3A_15] : memref<50000x256xf32, #tpu.memory_space<hbm>> -> memref<50000x256xf32, #tpu.memory_space<hbm>>
    tpu.wait_indirect_dma semaphore(%arg7 : memref<!tpu.dma_semaphore, #tpu.memory_space<semaphore_mem>>) src(%dma_wait3A_16 : memref<50000x256xf32, #tpu.memory_space<hbm>>) dst(%arg6 : memref<128x256xf32, #tpu.memory_space<vmem>>)
    "tpu.region"() ({
      %run_scoped3A = tpu.sem_alloc : memref<!tpu.dma_semaphore, #tpu.memory_space<semaphore_mem>>
      %dma_start3A_17 = arith.constant 0 : i32
      %dma_start3A_18 = tpu.memref_slice %arg4[%add3A_10, %dma_start3A_17] : memref<8192x256xf32, #tpu.memory_space<hbm>> -> memref<128x256xf32, #tpu.memory_space<hbm>>
      %dma_start3A_19 = arith.constant 0 : i32
      %dma_start3A_20 = tpu.memref_slice %arg4[%add3A_10, %dma_start3A_19] : memref<8192x256xf32, #tpu.memory_space<hbm>> -> memref<128x256xf32, #tpu.memory_space<hbm>>
      tpu.enqueue_dma source(%arg6 : memref<128x256xf32, #tpu.memory_space<vmem>>) target(%dma_start3A_20 : memref<128x256xf32, #tpu.memory_space<hbm>>) target_semaphore(%run_scoped3A : memref<!tpu.dma_semaphore, #tpu.memory_space<semaphore_mem>>)
      %dma_wait3A_21 = arith.constant 0 : i32
      %dma_wait3A_22 = tpu.memref_slice %arg4[%add3A_10, %dma_wait3A_21] : memref<8192x256xf32, #tpu.memory_space<hbm>> -> memref<128x256xf32, #tpu.memory_space<hbm>>
      %dma_wait3A_23 = arith.constant 0 : i32
      %dma_wait3A_24 = tpu.memref_slice %arg4[%add3A_10, %dma_wait3A_23] : memref<8192x256xf32, #tpu.memory_space<hbm>> -> memref<128x256xf32, #tpu.memory_space<hbm>>
      tpu.wait_dma2 semaphore(%run_scoped3A : memref<!tpu.dma_semaphore, #tpu.memory_space<semaphore_mem>>) src(%arg6 : memref<128x256xf32, #tpu.memory_space<vmem>>) dst(%dma_wait3A_24 : memref<128x256xf32, #tpu.memory_space<hbm>>)
      tpu.yield
    }) : () -> ()
    return
  }
}

#map = affine_map<(d0, d1) -> (0, 0)>
#map1 = affine_map<(d0, d1) -> (0)>
module attributes {stable_mosaic.version = 14 : i64} {
  func.func @k(%arg0: i32, %arg1: i32, %arg2: memref<4096x128xf32, #tpu.memory_space<hbm>>, %arg3: memref<4096xi32, #tpu.memory_space<hbm>>, %arg4: memref<4096x128xf32, #tpu.memory_space<hbm>>, %arg5: memref<128xi32, #tpu.memory_space<vmem>>, %arg6: memref<128x128xf32, #tpu.memory_space<vmem>>, %arg7: memref<!tpu.dma_semaphore, #tpu.memory_space<semaphore_mem>>) attributes {dimension_semantics = [#tpu.dimension_semantics<core_parallel>, #tpu.dimension_semantics<subcore_parallel>], iteration_bounds = array<i64: 2, 16>, scalar_prefetch = 0 : i64, scratch_operands = 3 : i64, tpu.core_type = #tpu.core_type<sc_vector_subcore>, window_params = [{transform_indices = #map}, {transform_indices = #map1}, {transform_indices = #map}]} {
    %mul3A = arith.constant 2 : i32
    %mul3A_0 = arith.muli %arg1, %mul3A : i32
    %add3A = arith.addi %mul3A_0, %arg0 : i32
    %mul3A_1 = arith.constant 128 : i32
    %mul3A_2 = arith.muli %add3A, %mul3A_1 : i32
    %add3A_3 = arith.constant 0 : i32
    %add3A_4 = arith.addi %mul3A_2, %add3A_3 : i32
    "tpu.region"() ({
      %run_scoped3A = tpu.sem_alloc : memref<!tpu.dma_semaphore, #tpu.memory_space<semaphore_mem>>
      %dma_start3A_9 = tpu.memref_slice %arg3[%add3A_4] : memref<4096xi32, #tpu.memory_space<hbm>> -> memref<128xi32, #tpu.memory_space<hbm>>
      %dma_start3A_10 = tpu.memref_slice %arg3[%add3A_4] : memref<4096xi32, #tpu.memory_space<hbm>> -> memref<128xi32, #tpu.memory_space<hbm>>
      tpu.enqueue_dma source(%dma_start3A_10 : memref<128xi32, #tpu.memory_space<hbm>>) target(%arg5 : memref<128xi32, #tpu.memory_space<vmem>>) target_semaphore(%run_scoped3A : memref<!tpu.dma_semaphore, #tpu.memory_space<semaphore_mem>>)
      %dma_wait3A_11 = tpu.memref_slice %arg3[%add3A_4] : memref<4096xi32, #tpu.memory_space<hbm>> -> memref<128xi32, #tpu.memory_space<hbm>>
      %dma_wait3A_12 = tpu.memref_slice %arg3[%add3A_4] : memref<4096xi32, #tpu.memory_space<hbm>> -> memref<128xi32, #tpu.memory_space<hbm>>
      tpu.wait_dma2 semaphore(%run_scoped3A : memref<!tpu.dma_semaphore, #tpu.memory_space<semaphore_mem>>) src(%dma_wait3A_12 : memref<128xi32, #tpu.memory_space<hbm>>) dst(%arg5 : memref<128xi32, #tpu.memory_space<vmem>>)
      tpu.yield
    }) : () -> ()
    %dma_start3A = arith.constant 0 : i32
    %dma_start3A_5 = arith.constant 0 : i32
    %dma_start3A_6 = tpu.memref_slice %arg2[%dma_start3A, %dma_start3A_5] : memref<4096x128xf32, #tpu.memory_space<hbm>> -> memref<4096x128xf32, #tpu.memory_space<hbm>>
    tpu.enqueue_indirect_dma source(%dma_start3A_6 : memref<4096x128xf32, #tpu.memory_space<hbm>>) target(%arg6 : memref<128x128xf32, #tpu.memory_space<vmem>>) offsets(%arg5 : memref<128xi32, #tpu.memory_space<vmem>>) semaphore(%arg7 : memref<!tpu.dma_semaphore, #tpu.memory_space<semaphore_mem>>)
    %dma_wait3A = arith.constant 0 : i32
    %dma_wait3A_7 = arith.constant 0 : i32
    %dma_wait3A_8 = tpu.memref_slice %arg2[%dma_wait3A, %dma_wait3A_7] : memref<4096x128xf32, #tpu.memory_space<hbm>> -> memref<4096x128xf32, #tpu.memory_space<hbm>>
    tpu.wait_indirect_dma semaphore(%arg7 : memref<!tpu.dma_semaphore, #tpu.memory_space<semaphore_mem>>) src(%dma_wait3A_8 : memref<4096x128xf32, #tpu.memory_space<hbm>>) dst(%arg6 : memref<128x128xf32, #tpu.memory_space<vmem>>)
    "tpu.region"() ({
      %run_scoped3A = tpu.sem_alloc : memref<!tpu.dma_semaphore, #tpu.memory_space<semaphore_mem>>
      %dma_start3A_9 = arith.constant 0 : i32
      %dma_start3A_10 = tpu.memref_slice %arg4[%add3A_4, %dma_start3A_9] : memref<4096x128xf32, #tpu.memory_space<hbm>> -> memref<128x128xf32, #tpu.memory_space<hbm>>
      %dma_start3A_11 = arith.constant 0 : i32
      %dma_start3A_12 = tpu.memref_slice %arg4[%add3A_4, %dma_start3A_11] : memref<4096x128xf32, #tpu.memory_space<hbm>> -> memref<128x128xf32, #tpu.memory_space<hbm>>
      tpu.enqueue_dma source(%arg6 : memref<128x128xf32, #tpu.memory_space<vmem>>) target(%dma_start3A_12 : memref<128x128xf32, #tpu.memory_space<hbm>>) target_semaphore(%run_scoped3A : memref<!tpu.dma_semaphore, #tpu.memory_space<semaphore_mem>>)
      %dma_wait3A_13 = arith.constant 0 : i32
      %dma_wait3A_14 = tpu.memref_slice %arg4[%add3A_4, %dma_wait3A_13] : memref<4096x128xf32, #tpu.memory_space<hbm>> -> memref<128x128xf32, #tpu.memory_space<hbm>>
      %dma_wait3A_15 = arith.constant 0 : i32
      %dma_wait3A_16 = tpu.memref_slice %arg4[%add3A_4, %dma_wait3A_15] : memref<4096x128xf32, #tpu.memory_space<hbm>> -> memref<128x128xf32, #tpu.memory_space<hbm>>
      tpu.wait_dma2 semaphore(%run_scoped3A : memref<!tpu.dma_semaphore, #tpu.memory_space<semaphore_mem>>) src(%arg6 : memref<128x128xf32, #tpu.memory_space<vmem>>) dst(%dma_wait3A_16 : memref<128x128xf32, #tpu.memory_space<hbm>>)
      tpu.yield
    }) : () -> ()
    return
  }
}

module attributes {stable_mosaic.version = 14 : i64} {
  func.func @_lstm_em_body(%arg0: i32, %arg1: memref<256x256xf32, #tpu.memory_space<vmem>>, %arg2: memref<256x256xf32, #tpu.memory_space<vmem>>, %arg3: memref<256x2048xbf16, #tpu.memory_space<vmem>>, %arg4: memref<512x2048xbf16, #tpu.memory_space<vmem>>, %arg5: memref<8x2048xf32, #tpu.memory_space<vmem>>, %arg6: memref<256x2048xbf16, #tpu.memory_space<vmem>>, %arg7: memref<512x2048xbf16, #tpu.memory_space<vmem>>, %arg8: memref<8x2048xf32, #tpu.memory_space<vmem>>, %arg9: memref<512x128xbf16, #tpu.memory_space<vmem>>, %arg10: memref<512x128xbf16, #tpu.memory_space<vmem>>, %arg11: memref<256x128xf32, #tpu.memory_space<vmem>>, %arg12: memref<256x128xf32, #tpu.memory_space<vmem>>, %arg13: memref<256x2048xf32, #tpu.memory_space<vmem>>, %arg14: memref<256x2048xf32, #tpu.memory_space<vmem>>, %arg15: memref<256x512xf32, #tpu.memory_space<vmem>>, %arg16: memref<256x512xf32, #tpu.memory_space<vmem>>, %arg17: memref<4x8x512xf32, #tpu.memory_space<vmem>>) attributes {dimension_semantics = [#tpu.dimension_semantics<arbitrary>], iteration_bounds = array<i64: 16>, scalar_prefetch = 0 : i64, scratch_operands = 5 : i64, tpu.core_type = #tpu.core_type<tc>, window_params = [{transform_indices = @transform_0, window_bounds = array<i64: 256, 256>}, {transform_indices = @transform_1, window_bounds = array<i64: 256, 256>}, {pipeline_mode = #tpu.pipeline_mode<synchronous>, transform_indices = @transform_2, window_bounds = array<i64: 256, 2048>}, {pipeline_mode = #tpu.pipeline_mode<synchronous>, transform_indices = @transform_3, window_bounds = array<i64: 512, 2048>}, {pipeline_mode = #tpu.pipeline_mode<synchronous>, transform_indices = @transform_4, window_bounds = array<i64: 8, 2048>}, {pipeline_mode = #tpu.pipeline_mode<synchronous>, transform_indices = @transform_5, window_bounds = array<i64: 256, 2048>}, {pipeline_mode = #tpu.pipeline_mode<synchronous>, transform_indices = @transform_6, window_bounds = array<i64: 512, 2048>}, {pipeline_mode = #tpu.pipeline_mode<synchronous>, transform_indices = @transform_7, window_bounds = array<i64: 8, 2048>}, {pipeline_mode = #tpu.pipeline_mode<synchronous>, transform_indices = @transform_8, window_bounds = array<i64: 512, 128>}, {pipeline_mode = #tpu.pipeline_mode<synchronous>, transform_indices = @transform_9, window_bounds = array<i64: 512, 128>}, {transform_indices = @transform_10, window_bounds = array<i64: 256, 128>}, {transform_indices = @transform_11, window_bounds = array<i64: 256, 128>}]} {
    %eq3A = arith.constant 0 : i32
    %eq3A_0 = arith.cmpi eq, %arg0, %eq3A : i32
    %convert_element_type3A = arith.extui %eq3A_0 : i1 to i32
    %cond3A = arith.constant 0 : i32
    %cond3A_1 = arith.cmpi ne, %convert_element_type3A, %cond3A : i32
    scf.if %cond3A_1 {
      %broadcast_in_dim3A = arith.constant 0.000000e+00 : f32
      %broadcast_in_dim3A_287 = vector.broadcast %broadcast_in_dim3A : f32 to vector<4x8x512xf32>
      %swap3A_288 = arith.constant 0 : index
      %swap3A_289 = arith.constant 0 : index
      %swap3A_290 = arith.constant 0 : index
      %swap3A_291 = vector.load %arg17[%swap3A_288, %swap3A_289, %swap3A_290] : memref<4x8x512xf32, #tpu.memory_space<vmem>>, vector<4x8x512xf32>
      tpu.vector_store %arg17[%swap3A_288, %swap3A_289, %swap3A_290], %broadcast_in_dim3A_287 {strides = array<i32>} : memref<4x8x512xf32, #tpu.memory_space<vmem>>, vector<4x8x512xf32>,
    } else {
    }
    %get3A = arith.constant 0 : index
    %get3A_2 = arith.constant 0 : index
    %get3A_3 = vector.load %arg1[%get3A, %get3A_2] : memref<256x256xf32, #tpu.memory_space<vmem>>, vector<256x256xf32>
    %convert_element_type3A_4 = arith.truncf %get3A_3 : vector<256x256xf32> to vector<256x256xbf16>
    %get3A_5 = arith.constant 0 : index
    %get3A_6 = arith.constant 0 : index
    %get3A_7 = vector.load %arg2[%get3A_5, %get3A_6] : memref<256x256xf32, #tpu.memory_space<vmem>>, vector<256x256xf32>
    %convert_element_type3A_8 = arith.truncf %get3A_7 : vector<256x256xf32> to vector<256x256xbf16>
    %get3A_9 = arith.constant 0 : index
    %get3A_10 = arith.constant 0 : index
    %get3A_11 = vector.load %arg3[%get3A_9, %get3A_10] : memref<256x2048xbf16, #tpu.memory_space<vmem>>, vector<256x256xbf16>
    %dot_general3A = arith.constant dense<0.000000e+00> : vector<256x256xf32>
    %dot_general3A_12 = tpu.matmul %convert_element_type3A_4, %get3A_11, %dot_general3A {dimension_numbers = #tpu.dot_dimension_numbers<[1], [0], [0], [1], [0, 0, 1, 1], [], []>, transpose_lhs_hint = false} : vector<256x256xbf16>, vector<256x256xbf16>, vector<256x256xf32> -> vector<256x256xf32>
    %get3A_13 = arith.constant 0 : index
    %get3A_14 = arith.constant 0 : index
    %get3A_15 = vector.load %arg5[%get3A_13, %get3A_14] : memref<8x2048xf32, #tpu.memory_space<vmem>>, vector<1x256xf32>
    %add3A = vector.broadcast %get3A_15 : vector<1x256xf32> to vector<256x256xf32>
    %add3A_16 = arith.addf %dot_general3A_12, %add3A : vector<256x256xf32>
    %swap3A = arith.constant 0 : index
    %swap3A_17 = arith.constant 0 : index
    %swap3A_18 = vector.load %arg13[%swap3A, %swap3A_17] : memref<256x2048xf32, #tpu.memory_space<vmem>>, vector<256x256xf32>
    tpu.vector_store %arg13[%swap3A, %swap3A_17], %add3A_16 {strides = array<i32>} : memref<256x2048xf32, #tpu.memory_space<vmem>>, vector<256x256xf32>,
    %get3A_19 = arith.constant 0 : index
    %get3A_20 = arith.constant 0 : index
    %get3A_21 = vector.load %arg6[%get3A_19, %get3A_20] : memref<256x2048xbf16, #tpu.memory_space<vmem>>, vector<256x256xbf16>
    %dot_general3A_22 = arith.constant dense<0.000000e+00> : vector<256x256xf32>
    %dot_general3A_23 = tpu.matmul %convert_element_type3A_8, %get3A_21, %dot_general3A_22 {dimension_numbers = #tpu.dot_dimension_numbers<[1], [0], [0], [1], [0, 0, 1, 1], [], []>, transpose_lhs_hint = false} : vector<256x256xbf16>, vector<256x256xbf16>, vector<256x256xf32> -> vector<256x256xf32>
    %get3A_24 = arith.constant 0 : index
    %get3A_25 = arith.constant 0 : index
    %get3A_26 = vector.load %arg8[%get3A_24, %get3A_25] : memref<8x2048xf32, #tpu.memory_space<vmem>>, vector<1x256xf32>
    %add3A_27 = vector.broadcast %get3A_26 : vector<1x256xf32> to vector<256x256xf32>
    %add3A_28 = arith.addf %dot_general3A_23, %add3A_27 : vector<256x256xf32>
    %swap3A_29 = arith.constant 0 : index
    %swap3A_30 = arith.constant 0 : index
    %swap3A_31 = vector.load %arg14[%swap3A_29, %swap3A_30] : memref<256x2048xf32, #tpu.memory_space<vmem>>, vector<256x256xf32>
    tpu.vector_store %arg14[%swap3A_29, %swap3A_30], %add3A_28 {strides = array<i32>} : memref<256x2048xf32, #tpu.memory_space<vmem>>, vector<256x256xf32>,
    %get3A_32 = arith.constant 0 : index
    %get3A_33 = arith.constant 256 : index
    %get3A_34 = vector.load %arg3[%get3A_32, %get3A_33] : memref<256x2048xbf16, #tpu.memory_space<vmem>>, vector<256x256xbf16>
    %dot_general3A_35 = arith.constant dense<0.000000e+00> : vector<256x256xf32>
    %dot_general3A_36 = tpu.matmul %convert_element_type3A_4, %get3A_34, %dot_general3A_35 {dimension_numbers = #tpu.dot_dimension_numbers<[1], [0], [0], [1], [0, 0, 1, 1], [], []>, transpose_lhs_hint = false} : vector<256x256xbf16>, vector<256x256xbf16>, vector<256x256xf32> -> vector<256x256xf32>
    %get3A_37 = arith.constant 0 : index
    %get3A_38 = arith.constant 256 : index
    %get3A_39 = vector.load %arg5[%get3A_37, %get3A_38] : memref<8x2048xf32, #tpu.memory_space<vmem>>, vector<1x256xf32>
    %add3A_40 = vector.broadcast %get3A_39 : vector<1x256xf32> to vector<256x256xf32>
    %add3A_41 = arith.addf %dot_general3A_36, %add3A_40 : vector<256x256xf32>
    %swap3A_42 = arith.constant 0 : index
    %swap3A_43 = arith.constant 256 : index
    %swap3A_44 = vector.load %arg13[%swap3A_42, %swap3A_43] : memref<256x2048xf32, #tpu.memory_space<vmem>>, vector<256x256xf32>
    tpu.vector_store %arg13[%swap3A_42, %swap3A_43], %add3A_41 {strides = array<i32>} : memref<256x2048xf32, #tpu.memory_space<vmem>>, vector<256x256xf32>,
    %get3A_45 = arith.constant 0 : index
    %get3A_46 = arith.constant 256 : index
    %get3A_47 = vector.load %arg6[%get3A_45, %get3A_46] : memref<256x2048xbf16, #tpu.memory_space<vmem>>, vector<256x256xbf16>
    %dot_general3A_48 = arith.constant dense<0.000000e+00> : vector<256x256xf32>
    %dot_general3A_49 = tpu.matmul %convert_element_type3A_8, %get3A_47, %dot_general3A_48 {dimension_numbers = #tpu.dot_dimension_numbers<[1], [0], [0], [1], [0, 0, 1, 1], [], []>, transpose_lhs_hint = false} : vector<256x256xbf16>, vector<256x256xbf16>, vector<256x256xf32> -> vector<256x256xf32>
    %get3A_50 = arith.constant 0 : index
    %get3A_51 = arith.constant 256 : index
    %get3A_52 = vector.load %arg8[%get3A_50, %get3A_51] : memref<8x2048xf32, #tpu.memory_space<vmem>>, vector<1x256xf32>
    %add3A_53 = vector.broadcast %get3A_52 : vector<1x256xf32> to vector<256x256xf32>
    %add3A_54 = arith.addf %dot_general3A_49, %add3A_53 : vector<256x256xf32>
    %swap3A_55 = arith.constant 0 : index
    %swap3A_56 = arith.constant 256 : index
    %swap3A_57 = vector.load %arg14[%swap3A_55, %swap3A_56] : memref<256x2048xf32, #tpu.memory_space<vmem>>, vector<256x256xf32>
    tpu.vector_store %arg14[%swap3A_55, %swap3A_56], %add3A_54 {strides = array<i32>} : memref<256x2048xf32, #tpu.memory_space<vmem>>, vector<256x256xf32>,
    %get3A_58 = arith.constant 0 : index
    %get3A_59 = arith.constant 512 : index
    %get3A_60 = vector.load %arg3[%get3A_58, %get3A_59] : memref<256x2048xbf16, #tpu.memory_space<vmem>>, vector<256x256xbf16>
    %dot_general3A_61 = arith.constant dense<0.000000e+00> : vector<256x256xf32>
    %dot_general3A_62 = tpu.matmul %convert_element_type3A_4, %get3A_60, %dot_general3A_61 {dimension_numbers = #tpu.dot_dimension_numbers<[1], [0], [0], [1], [0, 0, 1, 1], [], []>, transpose_lhs_hint = false} : vector<256x256xbf16>, vector<256x256xbf16>, vector<256x256xf32> -> vector<256x256xf32>
    %get3A_63 = arith.constant 0 : index
    %get3A_64 = arith.constant 512 : index
    %get3A_65 = vector.load %arg5[%get3A_63, %get3A_64] : memref<8x2048xf32, #tpu.memory_space<vmem>>, vector<1x256xf32>
    %add3A_66 = vector.broadcast %get3A_65 : vector<1x256xf32> to vector<256x256xf32>
    %add3A_67 = arith.addf %dot_general3A_62, %add3A_66 : vector<256x256xf32>
    %swap3A_68 = arith.constant 0 : index
    %swap3A_69 = arith.constant 512 : index
    %swap3A_70 = vector.load %arg13[%swap3A_68, %swap3A_69] : memref<256x2048xf32, #tpu.memory_space<vmem>>, vector<256x256xf32>
    tpu.vector_store %arg13[%swap3A_68, %swap3A_69], %add3A_67 {strides = array<i32>} : memref<256x2048xf32, #tpu.memory_space<vmem>>, vector<256x256xf32>,
    %get3A_71 = arith.constant 0 : index
    %get3A_72 = arith.constant 512 : index
    %get3A_73 = vector.load %arg6[%get3A_71, %get3A_72] : memref<256x2048xbf16, #tpu.memory_space<vmem>>, vector<256x256xbf16>
    %dot_general3A_74 = arith.constant dense<0.000000e+00> : vector<256x256xf32>
    %dot_general3A_75 = tpu.matmul %convert_element_type3A_8, %get3A_73, %dot_general3A_74 {dimension_numbers = #tpu.dot_dimension_numbers<[1], [0], [0], [1], [0, 0, 1, 1], [], []>, transpose_lhs_hint = false} : vector<256x256xbf16>, vector<256x256xbf16>, vector<256x256xf32> -> vector<256x256xf32>
    %get3A_76 = arith.constant 0 : index
    %get3A_77 = arith.constant 512 : index
    %get3A_78 = vector.load %arg8[%get3A_76, %get3A_77] : memref<8x2048xf32, #tpu.memory_space<vmem>>, vector<1x256xf32>
    %add3A_79 = vector.broadcast %get3A_78 : vector<1x256xf32> to vector<256x256xf32>
    %add3A_80 = arith.addf %dot_general3A_75, %add3A_79 : vector<256x256xf32>
    %swap3A_81 = arith.constant 0 : index
    %swap3A_82 = arith.constant 512 : index
    %swap3A_83 = vector.load %arg14[%swap3A_81, %swap3A_82] : memref<256x2048xf32, #tpu.memory_space<vmem>>, vector<256x256xf32>
    tpu.vector_store %arg14[%swap3A_81, %swap3A_82], %add3A_80 {strides = array<i32>} : memref<256x2048xf32, #tpu.memory_space<vmem>>, vector<256x256xf32>,
    %get3A_84 = arith.constant 0 : index
    %get3A_85 = arith.constant 768 : index
    %get3A_86 = vector.load %arg3[%get3A_84, %get3A_85] : memref<256x2048xbf16, #tpu.memory_space<vmem>>, vector<256x256xbf16>
    %dot_general3A_87 = arith.constant dense<0.000000e+00> : vector<256x256xf32>
    %dot_general3A_88 = tpu.matmul %convert_element_type3A_4, %get3A_86, %dot_general3A_87 {dimension_numbers = #tpu.dot_dimension_numbers<[1], [0], [0], [1], [0, 0, 1, 1], [], []>, transpose_lhs_hint = false} : vector<256x256xbf16>, vector<256x256xbf16>, vector<256x256xf32> -> vector<256x256xf32>
    %get3A_89 = arith.constant 0 : index
    %get3A_90 = arith.constant 768 : index
    %get3A_91 = vector.load %arg5[%get3A_89, %get3A_90] : memref<8x2048xf32, #tpu.memory_space<vmem>>, vector<1x256xf32>
    %add3A_92 = vector.broadcast %get3A_91 : vector<1x256xf32> to vector<256x256xf32>
    %add3A_93 = arith.addf %dot_general3A_88, %add3A_92 : vector<256x256xf32>
    %swap3A_94 = arith.constant 0 : index
    %swap3A_95 = arith.constant 768 : index
    %swap3A_96 = vector.load %arg13[%swap3A_94, %swap3A_95] : memref<256x2048xf32, #tpu.memory_space<vmem>>, vector<256x256xf32>
    tpu.vector_store %arg13[%swap3A_94, %swap3A_95], %add3A_93 {strides = array<i32>} : memref<256x2048xf32, #tpu.memory_space<vmem>>, vector<256x256xf32>,
    %get3A_97 = arith.constant 0 : index
    %get3A_98 = arith.constant 768 : index
    %get3A_99 = vector.load %arg6[%get3A_97, %get3A_98] : memref<256x2048xbf16, #tpu.memory_space<vmem>>, vector<256x256xbf16>
    %dot_general3A_100 = arith.constant dense<0.000000e+00> : vector<256x256xf32>
    %dot_general3A_101 = tpu.matmul %convert_element_type3A_8, %get3A_99, %dot_general3A_100 {dimension_numbers = #tpu.dot_dimension_numbers<[1], [0], [0], [1], [0, 0, 1, 1], [], []>, transpose_lhs_hint = false} : vector<256x256xbf16>, vector<256x256xbf16>, vector<256x256xf32> -> vector<256x256xf32>
    %get3A_102 = arith.constant 0 : index
    %get3A_103 = arith.constant 768 : index
    %get3A_104 = vector.load %arg8[%get3A_102, %get3A_103] : memref<8x2048xf32, #tpu.memory_space<vmem>>, vector<1x256xf32>
    %add3A_105 = vector.broadcast %get3A_104 : vector<1x256xf32> to vector<256x256xf32>
    %add3A_106 = arith.addf %dot_general3A_101, %add3A_105 : vector<256x256xf32>
    %swap3A_107 = arith.constant 0 : index
    %swap3A_108 = arith.constant 768 : index
    %swap3A_109 = vector.load %arg14[%swap3A_107, %swap3A_108] : memref<256x2048xf32, #tpu.memory_space<vmem>>, vector<256x256xf32>
    tpu.vector_store %arg14[%swap3A_107, %swap3A_108], %add3A_106 {strides = array<i32>} : memref<256x2048xf32, #tpu.memory_space<vmem>>, vector<256x256xf32>,
    %get3A_110 = arith.constant 0 : index
    %get3A_111 = arith.constant 1024 : index
    %get3A_112 = vector.load %arg3[%get3A_110, %get3A_111] : memref<256x2048xbf16, #tpu.memory_space<vmem>>, vector<256x256xbf16>
    %dot_general3A_113 = arith.constant dense<0.000000e+00> : vector<256x256xf32>
    %dot_general3A_114 = tpu.matmul %convert_element_type3A_4, %get3A_112, %dot_general3A_113 {dimension_numbers = #tpu.dot_dimension_numbers<[1], [0], [0], [1], [0, 0, 1, 1], [], []>, transpose_lhs_hint = false} : vector<256x256xbf16>, vector<256x256xbf16>, vector<256x256xf32> -> vector<256x256xf32>
    %get3A_115 = arith.constant 0 : index
    %get3A_116 = arith.constant 1024 : index
    %get3A_117 = vector.load %arg5[%get3A_115, %get3A_116] : memref<8x2048xf32, #tpu.memory_space<vmem>>, vector<1x256xf32>
    %add3A_118 = vector.broadcast %get3A_117 : vector<1x256xf32> to vector<256x256xf32>
    %add3A_119 = arith.addf %dot_general3A_114, %add3A_118 : vector<256x256xf32>
    %swap3A_120 = arith.constant 0 : index
    %swap3A_121 = arith.constant 1024 : index
    %swap3A_122 = vector.load %arg13[%swap3A_120, %swap3A_121] : memref<256x2048xf32, #tpu.memory_space<vmem>>, vector<256x256xf32>
    tpu.vector_store %arg13[%swap3A_120, %swap3A_121], %add3A_119 {strides = array<i32>} : memref<256x2048xf32, #tpu.memory_space<vmem>>, vector<256x256xf32>,
    %get3A_123 = arith.constant 0 : index
    %get3A_124 = arith.constant 1024 : index
    %get3A_125 = vector.load %arg6[%get3A_123, %get3A_124] : memref<256x2048xbf16, #tpu.memory_space<vmem>>, vector<256x256xbf16>
    %dot_general3A_126 = arith.constant dense<0.000000e+00> : vector<256x256xf32>
    %dot_general3A_127 = tpu.matmul %convert_element_type3A_8, %get3A_125, %dot_general3A_126 {dimension_numbers = #tpu.dot_dimension_numbers<[1], [0], [0], [1], [0, 0, 1, 1], [], []>, transpose_lhs_hint = false} : vector<256x256xbf16>, vector<256x256xbf16>, vector<256x256xf32> -> vector<256x256xf32>
    %get3A_128 = arith.constant 0 : index
    %get3A_129 = arith.constant 1024 : index
    %get3A_130 = vector.load %arg8[%get3A_128, %get3A_129] : memref<8x2048xf32, #tpu.memory_space<vmem>>, vector<1x256xf32>
    %add3A_131 = vector.broadcast %get3A_130 : vector<1x256xf32> to vector<256x256xf32>
    %add3A_132 = arith.addf %dot_general3A_127, %add3A_131 : vector<256x256xf32>
    %swap3A_133 = arith.constant 0 : index
    %swap3A_134 = arith.constant 1024 : index
    %swap3A_135 = vector.load %arg14[%swap3A_133, %swap3A_134] : memref<256x2048xf32, #tpu.memory_space<vmem>>, vector<256x256xf32>
    tpu.vector_store %arg14[%swap3A_133, %swap3A_134], %add3A_132 {strides = array<i32>} : memref<256x2048xf32, #tpu.memory_space<vmem>>, vector<256x256xf32>,
    %get3A_136 = arith.constant 0 : index
    %get3A_137 = arith.constant 1280 : index
    %get3A_138 = vector.load %arg3[%get3A_136, %get3A_137] : memref<256x2048xbf16, #tpu.memory_space<vmem>>, vector<256x256xbf16>
    %dot_general3A_139 = arith.constant dense<0.000000e+00> : vector<256x256xf32>
    %dot_general3A_140 = tpu.matmul %convert_element_type3A_4, %get3A_138, %dot_general3A_139 {dimension_numbers = #tpu.dot_dimension_numbers<[1], [0], [0], [1], [0, 0, 1, 1], [], []>, transpose_lhs_hint = false} : vector<256x256xbf16>, vector<256x256xbf16>, vector<256x256xf32> -> vector<256x256xf32>
    %get3A_141 = arith.constant 0 : index
    %get3A_142 = arith.constant 1280 : index
    %get3A_143 = vector.load %arg5[%get3A_141, %get3A_142] : memref<8x2048xf32, #tpu.memory_space<vmem>>, vector<1x256xf32>
    %add3A_144 = vector.broadcast %get3A_143 : vector<1x256xf32> to vector<256x256xf32>
    %add3A_145 = arith.addf %dot_general3A_140, %add3A_144 : vector<256x256xf32>
    %swap3A_146 = arith.constant 0 : index
    %swap3A_147 = arith.constant 1280 : index
    %swap3A_148 = vector.load %arg13[%swap3A_146, %swap3A_147] : memref<256x2048xf32, #tpu.memory_space<vmem>>, vector<256x256xf32>
    tpu.vector_store %arg13[%swap3A_146, %swap3A_147], %add3A_145 {strides = array<i32>} : memref<256x2048xf32, #tpu.memory_space<vmem>>, vector<256x256xf32>,
    %get3A_149 = arith.constant 0 : index
    %get3A_150 = arith.constant 1280 : index
    %get3A_151 = vector.load %arg6[%get3A_149, %get3A_150] : memref<256x2048xbf16, #tpu.memory_space<vmem>>, vector<256x256xbf16>
    %dot_general3A_152 = arith.constant dense<0.000000e+00> : vector<256x256xf32>
    %dot_general3A_153 = tpu.matmul %convert_element_type3A_8, %get3A_151, %dot_general3A_152 {dimension_numbers = #tpu.dot_dimension_numbers<[1], [0], [0], [1], [0, 0, 1, 1], [], []>, transpose_lhs_hint = false} : vector<256x256xbf16>, vector<256x256xbf16>, vector<256x256xf32> -> vector<256x256xf32>
    %get3A_154 = arith.constant 0 : index
    %get3A_155 = arith.constant 1280 : index
    %get3A_156 = vector.load %arg8[%get3A_154, %get3A_155] : memref<8x2048xf32, #tpu.memory_space<vmem>>, vector<1x256xf32>
    %add3A_157 = vector.broadcast %get3A_156 : vector<1x256xf32> to vector<256x256xf32>
    %add3A_158 = arith.addf %dot_general3A_153, %add3A_157 : vector<256x256xf32>
    %swap3A_159 = arith.constant 0 : index
    %swap3A_160 = arith.constant 1280 : index
    %swap3A_161 = vector.load %arg14[%swap3A_159, %swap3A_160] : memref<256x2048xf32, #tpu.memory_space<vmem>>, vector<256x256xf32>
    tpu.vector_store %arg14[%swap3A_159, %swap3A_160], %add3A_158 {strides = array<i32>} : memref<256x2048xf32, #tpu.memory_space<vmem>>, vector<256x256xf32>,
    %get3A_162 = arith.constant 0 : index
    %get3A_163 = arith.constant 1536 : index
    %get3A_164 = vector.load %arg3[%get3A_162, %get3A_163] : memref<256x2048xbf16, #tpu.memory_space<vmem>>, vector<256x256xbf16>
    %dot_general3A_165 = arith.constant dense<0.000000e+00> : vector<256x256xf32>
    %dot_general3A_166 = tpu.matmul %convert_element_type3A_4, %get3A_164, %dot_general3A_165 {dimension_numbers = #tpu.dot_dimension_numbers<[1], [0], [0], [1], [0, 0, 1, 1], [], []>, transpose_lhs_hint = false} : vector<256x256xbf16>, vector<256x256xbf16>, vector<256x256xf32> -> vector<256x256xf32>
    %get3A_167 = arith.constant 0 : index
    %get3A_168 = arith.constant 1536 : index
    %get3A_169 = vector.load %arg5[%get3A_167, %get3A_168] : memref<8x2048xf32, #tpu.memory_space<vmem>>, vector<1x256xf32>
    %add3A_170 = vector.broadcast %get3A_169 : vector<1x256xf32> to vector<256x256xf32>
    %add3A_171 = arith.addf %dot_general3A_166, %add3A_170 : vector<256x256xf32>
    %swap3A_172 = arith.constant 0 : index
    %swap3A_173 = arith.constant 1536 : index
    %swap3A_174 = vector.load %arg13[%swap3A_172, %swap3A_173] : memref<256x2048xf32, #tpu.memory_space<vmem>>, vector<256x256xf32>
    tpu.vector_store %arg13[%swap3A_172, %swap3A_173], %add3A_171 {strides = array<i32>} : memref<256x2048xf32, #tpu.memory_space<vmem>>, vector<256x256xf32>,
    %get3A_175 = arith.constant 0 : index
    %get3A_176 = arith.constant 1536 : index
    %get3A_177 = vector.load %arg6[%get3A_175, %get3A_176] : memref<256x2048xbf16, #tpu.memory_space<vmem>>, vector<256x256xbf16>
    %dot_general3A_178 = arith.constant dense<0.000000e+00> : vector<256x256xf32>
    %dot_general3A_179 = tpu.matmul %convert_element_type3A_8, %get3A_177, %dot_general3A_178 {dimension_numbers = #tpu.dot_dimension_numbers<[1], [0], [0], [1], [0, 0, 1, 1], [], []>, transpose_lhs_hint = false} : vector<256x256xbf16>, vector<256x256xbf16>, vector<256x256xf32> -> vector<256x256xf32>
    %get3A_180 = arith.constant 0 : index
    %get3A_181 = arith.constant 1536 : index
    %get3A_182 = vector.load %arg8[%get3A_180, %get3A_181] : memref<8x2048xf32, #tpu.memory_space<vmem>>, vector<1x256xf32>
    %add3A_183 = vector.broadcast %get3A_182 : vector<1x256xf32> to vector<256x256xf32>
    %add3A_184 = arith.addf %dot_general3A_179, %add3A_183 : vector<256x256xf32>
    %swap3A_185 = arith.constant 0 : index
    %swap3A_186 = arith.constant 1536 : index
    %swap3A_187 = vector.load %arg14[%swap3A_185, %swap3A_186] : memref<256x2048xf32, #tpu.memory_space<vmem>>, vector<256x256xf32>
    tpu.vector_store %arg14[%swap3A_185, %swap3A_186], %add3A_184 {strides = array<i32>} : memref<256x2048xf32, #tpu.memory_space<vmem>>, vector<256x256xf32>,
    %get3A_188 = arith.constant 0 : index
    %get3A_189 = arith.constant 1792 : index
    %get3A_190 = vector.load %arg3[%get3A_188, %get3A_189] : memref<256x2048xbf16, #tpu.memory_space<vmem>>, vector<256x256xbf16>
    %dot_general3A_191 = arith.constant dense<0.000000e+00> : vector<256x256xf32>
    %dot_general3A_192 = tpu.matmul %convert_element_type3A_4, %get3A_190, %dot_general3A_191 {dimension_numbers = #tpu.dot_dimension_numbers<[1], [0], [0], [1], [0, 0, 1, 1], [], []>, transpose_lhs_hint = false} : vector<256x256xbf16>, vector<256x256xbf16>, vector<256x256xf32> -> vector<256x256xf32>
    %get3A_193 = arith.constant 0 : index
    %get3A_194 = arith.constant 1792 : index
    %get3A_195 = vector.load %arg5[%get3A_193, %get3A_194] : memref<8x2048xf32, #tpu.memory_space<vmem>>, vector<1x256xf32>
    %add3A_196 = vector.broadcast %get3A_195 : vector<1x256xf32> to vector<256x256xf32>
    %add3A_197 = arith.addf %dot_general3A_192, %add3A_196 : vector<256x256xf32>
    %swap3A_198 = arith.constant 0 : index
    %swap3A_199 = arith.constant 1792 : index
    %swap3A_200 = vector.load %arg13[%swap3A_198, %swap3A_199] : memref<256x2048xf32, #tpu.memory_space<vmem>>, vector<256x256xf32>
    tpu.vector_store %arg13[%swap3A_198, %swap3A_199], %add3A_197 {strides = array<i32>} : memref<256x2048xf32, #tpu.memory_space<vmem>>, vector<256x256xf32>,
    %get3A_201 = arith.constant 0 : index
    %get3A_202 = arith.constant 1792 : index
    %get3A_203 = vector.load %arg6[%get3A_201, %get3A_202] : memref<256x2048xbf16, #tpu.memory_space<vmem>>, vector<256x256xbf16>
    %dot_general3A_204 = arith.constant dense<0.000000e+00> : vector<256x256xf32>
    %dot_general3A_205 = tpu.matmul %convert_element_type3A_8, %get3A_203, %dot_general3A_204 {dimension_numbers = #tpu.dot_dimension_numbers<[1], [0], [0], [1], [0, 0, 1, 1], [], []>, transpose_lhs_hint = false} : vector<256x256xbf16>, vector<256x256xbf16>, vector<256x256xf32> -> vector<256x256xf32>
    %get3A_206 = arith.constant 0 : index
    %get3A_207 = arith.constant 1792 : index
    %get3A_208 = vector.load %arg8[%get3A_206, %get3A_207] : memref<8x2048xf32, #tpu.memory_space<vmem>>, vector<1x256xf32>
    %add3A_209 = vector.broadcast %get3A_208 : vector<1x256xf32> to vector<256x256xf32>
    %add3A_210 = arith.addf %dot_general3A_205, %add3A_209 : vector<256x256xf32>
    %swap3A_211 = arith.constant 0 : index
    %swap3A_212 = arith.constant 1792 : index
    %swap3A_213 = vector.load %arg14[%swap3A_211, %swap3A_212] : memref<256x2048xf32, #tpu.memory_space<vmem>>, vector<256x256xf32>
    tpu.vector_store %arg14[%swap3A_211, %swap3A_212], %add3A_210 {strides = array<i32>} : memref<256x2048xf32, #tpu.memory_space<vmem>>, vector<256x256xf32>,
    %get3A_214 = arith.constant 0 : index
    %get3A_215 = arith.constant 0 : index
    %get3A_216 = arith.constant 0 : index
    %get3A_217 = vector.load %arg17[%get3A_214, %get3A_215, %get3A_216] : memref<4x8x512xf32, #tpu.memory_space<vmem>>, vector<1x8x512xf32>
    %get3A_218 = vector.shape_cast %get3A_217 : vector<1x8x512xf32> to vector<8x512xf32>
    %get3A_219 = arith.constant 1 : index
    %get3A_220 = arith.constant 0 : index
    %get3A_221 = arith.constant 0 : index
    %get3A_222 = vector.load %arg17[%get3A_219, %get3A_220, %get3A_221] : memref<4x8x512xf32, #tpu.memory_space<vmem>>, vector<1x8x512xf32>
    %get3A_223 = vector.shape_cast %get3A_222 : vector<1x8x512xf32> to vector<8x512xf32>
    %get3A_224 = arith.constant 2 : index
    %get3A_225 = arith.constant 0 : index
    %get3A_226 = arith.constant 0 : index
    %get3A_227 = vector.load %arg17[%get3A_224, %get3A_225, %get3A_226] : memref<4x8x512xf32, #tpu.memory_space<vmem>>, vector<1x8x512xf32>
    %get3A_228 = vector.shape_cast %get3A_227 : vector<1x8x512xf32> to vector<8x512xf32>
    %get3A_229 = arith.constant 3 : index
    %get3A_230 = arith.constant 0 : index
    %get3A_231 = arith.constant 0 : index
    %get3A_232 = vector.load %arg17[%get3A_229, %get3A_230, %get3A_231] : memref<4x8x512xf32, #tpu.memory_space<vmem>>, vector<1x8x512xf32>
    %get3A_233 = vector.shape_cast %get3A_232 : vector<1x8x512xf32> to vector<8x512xf32>
    %scan3A = arith.constant 0 : i32
    %scan3A_234 = arith.constant 32 : i32
    %scan3A_235 = arith.addi %scan3A, %scan3A_234 : i32
    %scan3A_236 = arith.constant 2 : i32
    %scan3A_237:4 = scf.for %scan3A_287 = %scan3A to %scan3A_235 step %scan3A_236 iter_args(%scan3A_288 = %get3A_218, %scan3A_289 = %get3A_223, %scan3A_290 = %get3A_228, %scan3A_291 = %get3A_233) -> (vector<8x512xf32>, vector<8x512xf32>, vector<8x512xf32>, vector<8x512xf32>)  : i32 {
      %mul3A = arith.constant 8 : i32
      %mul3A_292 = arith.muli %scan3A_287, %mul3A : i32
      %get3A_293 = arith.index_cast %mul3A_292 : i32 to index
      %get3A_294 = arith.constant 0 : index
      %get3A_295 = vector.load %arg13[%get3A_293, %get3A_294] : memref<256x2048xf32, #tpu.memory_space<vmem>>, vector<8x2048xf32>
      %convert_element_type3A_296 = arith.truncf %scan3A_288 : vector<8x512xf32> to vector<8x512xbf16>
      %get3A_297 = arith.constant 0 : index
      %get3A_298 = arith.constant 0 : index
      %get3A_299 = vector.load %arg4[%get3A_297, %get3A_298] : memref<512x2048xbf16, #tpu.memory_space<vmem>>, vector<512x2048xbf16>
      %dot_general3A_300 = arith.constant dense<0.000000e+00> : vector<8x2048xf32>
      %dot_general3A_301 = tpu.matmul %convert_element_type3A_296, %get3A_299, %dot_general3A_300 {dimension_numbers = #tpu.dot_dimension_numbers<[1], [0], [0], [1], [0, 0, 1, 1], [], []>, transpose_lhs_hint = false} : vector<8x512xbf16>, vector<512x2048xbf16>, vector<8x2048xf32> -> vector<8x2048xf32>
      %add3A_302 = arith.addf %get3A_295, %dot_general3A_301 : vector<8x2048xf32>
      %get3A_303 = arith.index_cast %mul3A_292 : i32 to index
      %get3A_304 = arith.constant 0 : index
      %get3A_305 = vector.load %arg14[%get3A_303, %get3A_304] : memref<256x2048xf32, #tpu.memory_space<vmem>>, vector<8x2048xf32>
      %convert_element_type3A_306 = arith.truncf %scan3A_290 : vector<8x512xf32> to vector<8x512xbf16>
      %get3A_307 = arith.constant 0 : index
      %get3A_308 = arith.constant 0 : index
      %get3A_309 = vector.load %arg7[%get3A_307, %get3A_308] : memref<512x2048xbf16, #tpu.memory_space<vmem>>, vector<512x2048xbf16>
      %dot_general3A_310 = arith.constant dense<0.000000e+00> : vector<8x2048xf32>
      %dot_general3A_311 = tpu.matmul %convert_element_type3A_306, %get3A_309, %dot_general3A_310 {dimension_numbers = #tpu.dot_dimension_numbers<[1], [0], [0], [1], [0, 0, 1, 1], [], []>, transpose_lhs_hint = false} : vector<8x512xbf16>, vector<512x2048xbf16>, vector<8x2048xf32> -> vector<8x2048xf32>
      %add3A_312 = arith.addf %get3A_305, %dot_general3A_311 : vector<8x2048xf32>
      %slice3A = vector.extract_strided_slice %add3A_302 {offsets = [0, 512], sizes = [8, 512], strides = [1, 1]} : vector<8x2048xf32> to vector<8x512xf32>
      %logistic3A = arith.negf %slice3A : vector<8x512xf32>
      %logistic3A_313 = math.exp %logistic3A : vector<8x512xf32>
      %logistic3A_314 = arith.constant 1.000000e+00 : f32
      %logistic3A_315 = vector.broadcast %logistic3A_314 : f32 to vector<8x512xf32>
      %logistic3A_316 = arith.addf %logistic3A_315, %logistic3A_313 : vector<8x512xf32>
      %logistic3A_317 = arith.divf %logistic3A_315, %logistic3A_316 : vector<8x512xf32>
      %mul3A_318 = arith.mulf %logistic3A_317, %scan3A_289 : vector<8x512xf32>
      %slice3A_319 = vector.extract_strided_slice %add3A_302 {offsets = [0, 0], sizes = [8, 512], strides = [1, 1]} : vector<8x2048xf32> to vector<8x512xf32>
      %logistic3A_320 = arith.negf %slice3A_319 : vector<8x512xf32>
      %logistic3A_321 = math.exp %logistic3A_320 : vector<8x512xf32>
      %logistic3A_322 = arith.constant 1.000000e+00 : f32
      %logistic3A_323 = vector.broadcast %logistic3A_322 : f32 to vector<8x512xf32>
      %logistic3A_324 = arith.addf %logistic3A_323, %logistic3A_321 : vector<8x512xf32>
      %logistic3A_325 = arith.divf %logistic3A_323, %logistic3A_324 : vector<8x512xf32>
      %slice3A_326 = vector.extract_strided_slice %add3A_302 {offsets = [0, 1024], sizes = [8, 512], strides = [1, 1]} : vector<8x2048xf32> to vector<8x512xf32>
      %tanh3A = math.tanh %slice3A_326 : vector<8x512xf32>
      %mul3A_327 = arith.mulf %logistic3A_325, %tanh3A : vector<8x512xf32>
      %add3A_328 = arith.addf %mul3A_318, %mul3A_327 : vector<8x512xf32>
      %slice3A_329 = vector.extract_strided_slice %add3A_302 {offsets = [0, 1536], sizes = [8, 512], strides = [1, 1]} : vector<8x2048xf32> to vector<8x512xf32>
      %logistic3A_330 = arith.negf %slice3A_329 : vector<8x512xf32>
      %logistic3A_331 = math.exp %logistic3A_330 : vector<8x512xf32>
      %logistic3A_332 = arith.constant 1.000000e+00 : f32
      %logistic3A_333 = vector.broadcast %logistic3A_332 : f32 to vector<8x512xf32>
      %logistic3A_334 = arith.addf %logistic3A_333, %logistic3A_331 : vector<8x512xf32>
      %logistic3A_335 = arith.divf %logistic3A_333, %logistic3A_334 : vector<8x512xf32>
      %tanh3A_336 = math.tanh %add3A_328 : vector<8x512xf32>
      %mul3A_337 = arith.mulf %logistic3A_335, %tanh3A_336 : vector<8x512xf32>
      %swap3A_338 = arith.index_cast %mul3A_292 : i32 to index
      %swap3A_339 = arith.constant 0 : index
      %swap3A_340 = vector.load %arg15[%swap3A_338, %swap3A_339] : memref<256x512xf32, #tpu.memory_space<vmem>>, vector<8x512xf32>
      tpu.vector_store %arg15[%swap3A_338, %swap3A_339], %mul3A_337 {strides = array<i32>} : memref<256x512xf32, #tpu.memory_space<vmem>>, vector<8x512xf32>,
      %slice3A_341 = vector.extract_strided_slice %add3A_312 {offsets = [0, 512], sizes = [8, 512], strides = [1, 1]} : vector<8x2048xf32> to vector<8x512xf32>
      %logistic3A_342 = arith.negf %slice3A_341 : vector<8x512xf32>
      %logistic3A_343 = math.exp %logistic3A_342 : vector<8x512xf32>
      %logistic3A_344 = arith.constant 1.000000e+00 : f32
      %logistic3A_345 = vector.broadcast %logistic3A_344 : f32 to vector<8x512xf32>
      %logistic3A_346 = arith.addf %logistic3A_345, %logistic3A_343 : vector<8x512xf32>
      %logistic3A_347 = arith.divf %logistic3A_345, %logistic3A_346 : vector<8x512xf32>
      %mul3A_348 = arith.mulf %logistic3A_347, %scan3A_291 : vector<8x512xf32>
      %slice3A_349 = vector.extract_strided_slice %add3A_312 {offsets = [0, 0], sizes = [8, 512], strides = [1, 1]} : vector<8x2048xf32> to vector<8x512xf32>
      %logistic3A_350 = arith.negf %slice3A_349 : vector<8x512xf32>
      %logistic3A_351 = math.exp %logistic3A_350 : vector<8x512xf32>
      %logistic3A_352 = arith.constant 1.000000e+00 : f32
      %logistic3A_353 = vector.broadcast %logistic3A_352 : f32 to vector<8x512xf32>
      %logistic3A_354 = arith.addf %logistic3A_353, %logistic3A_351 : vector<8x512xf32>
      %logistic3A_355 = arith.divf %logistic3A_353, %logistic3A_354 : vector<8x512xf32>
      %slice3A_356 = vector.extract_strided_slice %add3A_312 {offsets = [0, 1024], sizes = [8, 512], strides = [1, 1]} : vector<8x2048xf32> to vector<8x512xf32>
      %tanh3A_357 = math.tanh %slice3A_356 : vector<8x512xf32>
      %mul3A_358 = arith.mulf %logistic3A_355, %tanh3A_357 : vector<8x512xf32>
      %add3A_359 = arith.addf %mul3A_348, %mul3A_358 : vector<8x512xf32>
      %slice3A_360 = vector.extract_strided_slice %add3A_312 {offsets = [0, 1536], sizes = [8, 512], strides = [1, 1]} : vector<8x2048xf32> to vector<8x512xf32>
      %logistic3A_361 = arith.negf %slice3A_360 : vector<8x512xf32>
      %logistic3A_362 = math.exp %logistic3A_361 : vector<8x512xf32>
      %logistic3A_363 = arith.constant 1.000000e+00 : f32
      %logistic3A_364 = vector.broadcast %logistic3A_363 : f32 to vector<8x512xf32>
      %logistic3A_365 = arith.addf %logistic3A_364, %logistic3A_362 : vector<8x512xf32>
      %logistic3A_366 = arith.divf %logistic3A_364, %logistic3A_365 : vector<8x512xf32>
      %tanh3A_367 = math.tanh %add3A_359 : vector<8x512xf32>
      %mul3A_368 = arith.mulf %logistic3A_366, %tanh3A_367 : vector<8x512xf32>
      %swap3A_369 = arith.index_cast %mul3A_292 : i32 to index
      %swap3A_370 = arith.constant 0 : index
      %swap3A_371 = vector.load %arg16[%swap3A_369, %swap3A_370] : memref<256x512xf32, #tpu.memory_space<vmem>>, vector<8x512xf32>
      tpu.vector_store %arg16[%swap3A_369, %swap3A_370], %mul3A_368 {strides = array<i32>} : memref<256x512xf32, #tpu.memory_space<vmem>>, vector<8x512xf32>,
      %scan3A_372 = arith.constant 1 : i32
      %scan3A_373 = arith.addi %scan3A_287, %scan3A_372 : i32
      %mul3A_374 = arith.constant 8 : i32
      %mul3A_375 = arith.muli %scan3A_373, %mul3A_374 : i32
      %get3A_376 = arith.index_cast %mul3A_375 : i32 to index
      %get3A_377 = arith.constant 0 : index
      %get3A_378 = vector.load %arg13[%get3A_376, %get3A_377] : memref<256x2048xf32, #tpu.memory_space<vmem>>, vector<8x2048xf32>
      %convert_element_type3A_379 = arith.truncf %mul3A_337 : vector<8x512xf32> to vector<8x512xbf16>
      %get3A_380 = arith.constant 0 : index
      %get3A_381 = arith.constant 0 : index
      %get3A_382 = vector.load %arg4[%get3A_380, %get3A_381] : memref<512x2048xbf16, #tpu.memory_space<vmem>>, vector<512x2048xbf16>
      %dot_general3A_383 = arith.constant dense<0.000000e+00> : vector<8x2048xf32>
      %dot_general3A_384 = tpu.matmul %convert_element_type3A_379, %get3A_382, %dot_general3A_383 {dimension_numbers = #tpu.dot_dimension_numbers<[1], [0], [0], [1], [0, 0, 1, 1], [], []>, transpose_lhs_hint = false} : vector<8x512xbf16>, vector<512x2048xbf16>, vector<8x2048xf32> -> vector<8x2048xf32>
      %add3A_385 = arith.addf %get3A_378, %dot_general3A_384 : vector<8x2048xf32>
      %get3A_386 = arith.index_cast %mul3A_375 : i32 to index
      %get3A_387 = arith.constant 0 : index
      %get3A_388 = vector.load %arg14[%get3A_386, %get3A_387] : memref<256x2048xf32, #tpu.memory_space<vmem>>, vector<8x2048xf32>
      %convert_element_type3A_389 = arith.truncf %mul3A_368 : vector<8x512xf32> to vector<8x512xbf16>
      %get3A_390 = arith.constant 0 : index
      %get3A_391 = arith.constant 0 : index
      %get3A_392 = vector.load %arg7[%get3A_390, %get3A_391] : memref<512x2048xbf16, #tpu.memory_space<vmem>>, vector<512x2048xbf16>
      %dot_general3A_393 = arith.constant dense<0.000000e+00> : vector<8x2048xf32>
      %dot_general3A_394 = tpu.matmul %convert_element_type3A_389, %get3A_392, %dot_general3A_393 {dimension_numbers = #tpu.dot_dimension_numbers<[1], [0], [0], [1], [0, 0, 1, 1], [], []>, transpose_lhs_hint = false} : vector<8x512xbf16>, vector<512x2048xbf16>, vector<8x2048xf32> -> vector<8x2048xf32>
      %add3A_395 = arith.addf %get3A_388, %dot_general3A_394 : vector<8x2048xf32>
      %slice3A_396 = vector.extract_strided_slice %add3A_385 {offsets = [0, 512], sizes = [8, 512], strides = [1, 1]} : vector<8x2048xf32> to vector<8x512xf32>
      %logistic3A_397 = arith.negf %slice3A_396 : vector<8x512xf32>
      %logistic3A_398 = math.exp %logistic3A_397 : vector<8x512xf32>
      %logistic3A_399 = arith.constant 1.000000e+00 : f32
      %logistic3A_400 = vector.broadcast %logistic3A_399 : f32 to vector<8x512xf32>
      %logistic3A_401 = arith.addf %logistic3A_400, %logistic3A_398 : vector<8x512xf32>
      %logistic3A_402 = arith.divf %logistic3A_400, %logistic3A_401 : vector<8x512xf32>
      %mul3A_403 = arith.mulf %logistic3A_402, %add3A_328 : vector<8x512xf32>
      %slice3A_404 = vector.extract_strided_slice %add3A_385 {offsets = [0, 0], sizes = [8, 512], strides = [1, 1]} : vector<8x2048xf32> to vector<8x512xf32>
      %logistic3A_405 = arith.negf %slice3A_404 : vector<8x512xf32>
      %logistic3A_406 = math.exp %logistic3A_405 : vector<8x512xf32>
      %logistic3A_407 = arith.constant 1.000000e+00 : f32
      %logistic3A_408 = vector.broadcast %logistic3A_407 : f32 to vector<8x512xf32>
      %logistic3A_409 = arith.addf %logistic3A_408, %logistic3A_406 : vector<8x512xf32>
      %logistic3A_410 = arith.divf %logistic3A_408, %logistic3A_409 : vector<8x512xf32>
      %slice3A_411 = vector.extract_strided_slice %add3A_385 {offsets = [0, 1024], sizes = [8, 512], strides = [1, 1]} : vector<8x2048xf32> to vector<8x512xf32>
      %tanh3A_412 = math.tanh %slice3A_411 : vector<8x512xf32>
      %mul3A_413 = arith.mulf %logistic3A_410, %tanh3A_412 : vector<8x512xf32>
      %add3A_414 = arith.addf %mul3A_403, %mul3A_413 : vector<8x512xf32>
      %slice3A_415 = vector.extract_strided_slice %add3A_385 {offsets = [0, 1536], sizes = [8, 512], strides = [1, 1]} : vector<8x2048xf32> to vector<8x512xf32>
      %logistic3A_416 = arith.negf %slice3A_415 : vector<8x512xf32>
      %logistic3A_417 = math.exp %logistic3A_416 : vector<8x512xf32>
      %logistic3A_418 = arith.constant 1.000000e+00 : f32
      %logistic3A_419 = vector.broadcast %logistic3A_418 : f32 to vector<8x512xf32>
      %logistic3A_420 = arith.addf %logistic3A_419, %logistic3A_417 : vector<8x512xf32>
      %logistic3A_421 = arith.divf %logistic3A_419, %logistic3A_420 : vector<8x512xf32>
      %tanh3A_422 = math.tanh %add3A_414 : vector<8x512xf32>
      %mul3A_423 = arith.mulf %logistic3A_421, %tanh3A_422 : vector<8x512xf32>
      %swap3A_424 = arith.index_cast %mul3A_375 : i32 to index
      %swap3A_425 = arith.constant 0 : index
      %swap3A_426 = vector.load %arg15[%swap3A_424, %swap3A_425] : memref<256x512xf32, #tpu.memory_space<vmem>>, vector<8x512xf32>
      tpu.vector_store %arg15[%swap3A_424, %swap3A_425], %mul3A_423 {strides = array<i32>} : memref<256x512xf32, #tpu.memory_space<vmem>>, vector<8x512xf32>,
      %slice3A_427 = vector.extract_strided_slice %add3A_395 {offsets = [0, 512], sizes = [8, 512], strides = [1, 1]} : vector<8x2048xf32> to vector<8x512xf32>
      %logistic3A_428 = arith.negf %slice3A_427 : vector<8x512xf32>
      %logistic3A_429 = math.exp %logistic3A_428 : vector<8x512xf32>
      %logistic3A_430 = arith.constant 1.000000e+00 : f32
      %logistic3A_431 = vector.broadcast %logistic3A_430 : f32 to vector<8x512xf32>
      %logistic3A_432 = arith.addf %logistic3A_431, %logistic3A_429 : vector<8x512xf32>
      %logistic3A_433 = arith.divf %logistic3A_431, %logistic3A_432 : vector<8x512xf32>
      %mul3A_434 = arith.mulf %logistic3A_433, %add3A_359 : vector<8x512xf32>
      %slice3A_435 = vector.extract_strided_slice %add3A_395 {offsets = [0, 0], sizes = [8, 512], strides = [1, 1]} : vector<8x2048xf32> to vector<8x512xf32>
      %logistic3A_436 = arith.negf %slice3A_435 : vector<8x512xf32>
      %logistic3A_437 = math.exp %logistic3A_436 : vector<8x512xf32>
      %logistic3A_438 = arith.constant 1.000000e+00 : f32
      %logistic3A_439 = vector.broadcast %logistic3A_438 : f32 to vector<8x512xf32>
      %logistic3A_440 = arith.addf %logistic3A_439, %logistic3A_437 : vector<8x512xf32>
      %logistic3A_441 = arith.divf %logistic3A_439, %logistic3A_440 : vector<8x512xf32>
      %slice3A_442 = vector.extract_strided_slice %add3A_395 {offsets = [0, 1024], sizes = [8, 512], strides = [1, 1]} : vector<8x2048xf32> to vector<8x512xf32>
      %tanh3A_443 = math.tanh %slice3A_442 : vector<8x512xf32>
      %mul3A_444 = arith.mulf %logistic3A_441, %tanh3A_443 : vector<8x512xf32>
      %add3A_445 = arith.addf %mul3A_434, %mul3A_444 : vector<8x512xf32>
      %slice3A_446 = vector.extract_strided_slice %add3A_395 {offsets = [0, 1536], sizes = [8, 512], strides = [1, 1]} : vector<8x2048xf32> to vector<8x512xf32>
      %logistic3A_447 = arith.negf %slice3A_446 : vector<8x512xf32>
      %logistic3A_448 = math.exp %logistic3A_447 : vector<8x512xf32>
      %logistic3A_449 = arith.constant 1.000000e+00 : f32
      %logistic3A_450 = vector.broadcast %logistic3A_449 : f32 to vector<8x512xf32>
      %logistic3A_451 = arith.addf %logistic3A_450, %logistic3A_448 : vector<8x512xf32>
      %logistic3A_452 = arith.divf %logistic3A_450, %logistic3A_451 : vector<8x512xf32>
      %tanh3A_453 = math.tanh %add3A_445 : vector<8x512xf32>
      %mul3A_454 = arith.mulf %logistic3A_452, %tanh3A_453 : vector<8x512xf32>
      %swap3A_455 = arith.index_cast %mul3A_375 : i32 to index
      %swap3A_456 = arith.constant 0 : index
      %swap3A_457 = vector.load %arg16[%swap3A_455, %swap3A_456] : memref<256x512xf32, #tpu.memory_space<vmem>>, vector<8x512xf32>
      tpu.vector_store %arg16[%swap3A_455, %swap3A_456], %mul3A_454 {strides = array<i32>} : memref<256x512xf32, #tpu.memory_space<vmem>>, vector<8x512xf32>,
      scf.yield %mul3A_423, %add3A_414, %mul3A_454, %add3A_445 : vector<8x512xf32>, vector<8x512xf32>, vector<8x512xf32>, vector<8x512xf32>
    }
    %scan3A_238 = arith.constant 32 : i32
    %swap3A_239 = arith.constant 0 : index
    %swap3A_240 = arith.constant 0 : index
    %swap3A_241 = arith.constant 0 : index
    %swap3A_242 = vector.load %arg17[%swap3A_239, %swap3A_240, %swap3A_241] : memref<4x8x512xf32, #tpu.memory_space<vmem>>, vector<1x8x512xf32>
    %swap3A_243 = vector.shape_cast %swap3A_242 : vector<1x8x512xf32> to vector<8x512xf32>
    %swap3A_244 = vector.shape_cast %scan3A_237#0 : vector<8x512xf32> to vector<1x8x512xf32>
    tpu.vector_store %arg17[%swap3A_239, %swap3A_240, %swap3A_241], %swap3A_244 {strides = array<i32>} : memref<4x8x512xf32, #tpu.memory_space<vmem>>, vector<1x8x512xf32>,
    %swap3A_245 = arith.constant 1 : index
    %swap3A_246 = arith.constant 0 : index
    %swap3A_247 = arith.constant 0 : index
    %swap3A_248 = vector.load %arg17[%swap3A_245, %swap3A_246, %swap3A_247] : memref<4x8x512xf32, #tpu.memory_space<vmem>>, vector<1x8x512xf32>
    %swap3A_249 = vector.shape_cast %swap3A_248 : vector<1x8x512xf32> to vector<8x512xf32>
    %swap3A_250 = vector.shape_cast %scan3A_237#1 : vector<8x512xf32> to vector<1x8x512xf32>
    tpu.vector_store %arg17[%swap3A_245, %swap3A_246, %swap3A_247], %swap3A_250 {strides = array<i32>} : memref<4x8x512xf32, #tpu.memory_space<vmem>>, vector<1x8x512xf32>,
    %swap3A_251 = arith.constant 2 : index
    %swap3A_252 = arith.constant 0 : index
    %swap3A_253 = arith.constant 0 : index
    %swap3A_254 = vector.load %arg17[%swap3A_251, %swap3A_252, %swap3A_253] : memref<4x8x512xf32, #tpu.memory_space<vmem>>, vector<1x8x512xf32>
    %swap3A_255 = vector.shape_cast %swap3A_254 : vector<1x8x512xf32> to vector<8x512xf32>
    %swap3A_256 = vector.shape_cast %scan3A_237#2 : vector<8x512xf32> to vector<1x8x512xf32>
    tpu.vector_store %arg17[%swap3A_251, %swap3A_252, %swap3A_253], %swap3A_256 {strides = array<i32>} : memref<4x8x512xf32, #tpu.memory_space<vmem>>, vector<1x8x512xf32>,
    %swap3A_257 = arith.constant 3 : index
    %swap3A_258 = arith.constant 0 : index
    %swap3A_259 = arith.constant 0 : index
    %swap3A_260 = vector.load %arg17[%swap3A_257, %swap3A_258, %swap3A_259] : memref<4x8x512xf32, #tpu.memory_space<vmem>>, vector<1x8x512xf32>
    %swap3A_261 = vector.shape_cast %swap3A_260 : vector<1x8x512xf32> to vector<8x512xf32>
    %swap3A_262 = vector.shape_cast %scan3A_237#3 : vector<8x512xf32> to vector<1x8x512xf32>
    tpu.vector_store %arg17[%swap3A_257, %swap3A_258, %swap3A_259], %swap3A_262 {strides = array<i32>} : memref<4x8x512xf32, #tpu.memory_space<vmem>>, vector<1x8x512xf32>,
    %get3A_263 = arith.constant 0 : index
    %get3A_264 = arith.constant 0 : index
    %get3A_265 = vector.load %arg15[%get3A_263, %get3A_264] : memref<256x512xf32, #tpu.memory_space<vmem>>, vector<256x512xf32>
    %convert_element_type3A_266 = arith.truncf %get3A_265 : vector<256x512xf32> to vector<256x512xbf16>
    %get3A_267 = arith.constant 0 : index
    %get3A_268 = arith.constant 0 : index
    %get3A_269 = vector.load %arg9[%get3A_267, %get3A_268] : memref<512x128xbf16, #tpu.memory_space<vmem>>, vector<512x128xbf16>
    %dot_general3A_270 = arith.constant dense<0.000000e+00> : vector<256x128xf32>
    %dot_general3A_271 = tpu.matmul %convert_element_type3A_266, %get3A_269, %dot_general3A_270 {dimension_numbers = #tpu.dot_dimension_numbers<[1], [0], [0], [1], [0, 0, 1, 1], [], []>, transpose_lhs_hint = false} : vector<256x512xbf16>, vector<512x128xbf16>, vector<256x128xf32> -> vector<256x128xf32>
    %swap3A_272 = arith.constant 0 : index
    %swap3A_273 = arith.constant 0 : index
    %swap3A_274 = vector.load %arg11[%swap3A_272, %swap3A_273] : memref<256x128xf32, #tpu.memory_space<vmem>>, vector<256x128xf32>
    tpu.vector_store %arg11[%swap3A_272, %swap3A_273], %dot_general3A_271 {strides = array<i32>} : memref<256x128xf32, #tpu.memory_space<vmem>>, vector<256x128xf32>,
    %get3A_275 = arith.constant 0 : index
    %get3A_276 = arith.constant 0 : index
    %get3A_277 = vector.load %arg16[%get3A_275, %get3A_276] : memref<256x512xf32, #tpu.memory_space<vmem>>, vector<256x512xf32>
    %convert_element_type3A_278 = arith.truncf %get3A_277 : vector<256x512xf32> to vector<256x512xbf16>
    %get3A_279 = arith.constant 0 : index
    %get3A_280 = arith.constant 0 : index
    %get3A_281 = vector.load %arg10[%get3A_279, %get3A_280] : memref<512x128xbf16, #tpu.memory_space<vmem>>, vector<512x128xbf16>
    %dot_general3A_282 = arith.constant dense<0.000000e+00> : vector<256x128xf32>
    %dot_general3A_283 = tpu.matmul %convert_element_type3A_278, %get3A_281, %dot_general3A_282 {dimension_numbers = #tpu.dot_dimension_numbers<[1], [0], [0], [1], [0, 0, 1, 1], [], []>, transpose_lhs_hint = false} : vector<256x512xbf16>, vector<512x128xbf16>, vector<256x128xf32> -> vector<256x128xf32>
    %swap3A_284 = arith.constant 0 : index
    %swap3A_285 = arith.constant 0 : index
    %swap3A_286 = vector.load %arg12[%swap3A_284, %swap3A_285] : memref<256x128xf32, #tpu.memory_space<vmem>>, vector<256x128xf32>
    tpu.vector_store %arg12[%swap3A_284, %swap3A_285], %dot_general3A_283 {strides = array<i32>} : memref<256x128xf32, #tpu.memory_space<vmem>>, vector<256x128xf32>,
    return
  }
  func.func @transform_0(%arg0: i32) -> (i32, i32) {
    %c0_i32 = arith.constant 0 : i32
    %c0_i32_0 = arith.constant 0 : i32
    return %arg0, %c0_i32 : i32, i32
  }
  func.func @transform_1(%arg0: i32) -> (i32, i32) {
    %add3A = arith.constant 16 : i32
    %add3A_0 = arith.addi %arg0, %add3A : i32
    %c0_i32 = arith.constant 0 : i32
    %c0_i32_1 = arith.constant 0 : i32
    return %add3A_0, %c0_i32 : i32, i32
  }
  func.func @transform_2(%arg0: i32) -> (i32, i32) {
    %c0_i32 = arith.constant 0 : i32
    %c0_i32_0 = arith.constant 0 : i32
    %c0_i32_1 = arith.constant 0 : i32
    return %c0_i32, %c0_i32_0 : i32, i32
  }
  func.func @transform_3(%arg0: i32) -> (i32, i32) {
    %c0_i32 = arith.constant 0 : i32
    %c0_i32_0 = arith.constant 0 : i32
    %c0_i32_1 = arith.constant 0 : i32
    return %c0_i32, %c0_i32_0 : i32, i32
  }
  func.func @transform_4(%arg0: i32) -> (i32, i32) {
    %c0_i32 = arith.constant 0 : i32
    %c0_i32_0 = arith.constant 0 : i32
    %c0_i32_1 = arith.constant 0 : i32
    return %c0_i32, %c0_i32_0 : i32, i32
  }
  func.func @transform_5(%arg0: i32) -> (i32, i32) {
    %c0_i32 = arith.constant 0 : i32
    %c0_i32_0 = arith.constant 0 : i32
    %c0_i32_1 = arith.constant 0 : i32
    return %c0_i32, %c0_i32_0 : i32, i32
  }
  func.func @transform_6(%arg0: i32) -> (i32, i32) {
    %c0_i32 = arith.constant 0 : i32
    %c0_i32_0 = arith.constant 0 : i32
    %c0_i32_1 = arith.constant 0 : i32
    return %c0_i32, %c0_i32_0 : i32, i32
  }
  func.func @transform_7(%arg0: i32) -> (i32, i32) {
    %c0_i32 = arith.constant 0 : i32
    %c0_i32_0 = arith.constant 0 : i32
    %c0_i32_1 = arith.constant 0 : i32
    return %c0_i32, %c0_i32_0 : i32, i32
  }
  func.func @transform_8(%arg0: i32) -> (i32, i32) {
    %c0_i32 = arith.constant 0 : i32
    %c0_i32_0 = arith.constant 0 : i32
    %c0_i32_1 = arith.constant 0 : i32
    return %c0_i32, %c0_i32_0 : i32, i32
  }
  func.func @transform_9(%arg0: i32) -> (i32, i32) {
    %c0_i32 = arith.constant 0 : i32
    %c0_i32_0 = arith.constant 0 : i32
    %c0_i32_1 = arith.constant 0 : i32
    return %c0_i32, %c0_i32_0 : i32, i32
  }
  func.func @transform_10(%arg0: i32) -> (i32, i32) {
    %c0_i32 = arith.constant 0 : i32
    %c0_i32_0 = arith.constant 0 : i32
    return %arg0, %c0_i32 : i32, i32
  }
  func.func @transform_11(%arg0: i32) -> (i32, i32) {
    %c0_i32 = arith.constant 0 : i32
    %c0_i32_0 = arith.constant 0 : i32
    return %arg0, %c0_i32 : i32, i32
  }
}

module attributes {stable_mosaic.version = 14 : i64} {
  func.func @_crf_body(%arg0: memref<4096x128xf32, #tpu.memory_space<vmem>>, %arg1: memref<4096x128xf32, #tpu.memory_space<vmem>>, %arg2: memref<64x64xf32, #tpu.memory_space<vmem>>, %arg3: memref<8x64xf32, #tpu.memory_space<vmem>>, %arg4: memref<8x64xf32, #tpu.memory_space<vmem>>, %arg5: memref<8x64xf32, #tpu.memory_space<vmem>>, %arg6: memref<8x128xf32, #tpu.memory_space<vmem>>, %arg7: memref<8x1xf32, #tpu.memory_space<vmem>>, %arg8: memref<4096x64xf32, #tpu.memory_space<vmem>>, %arg9: memref<4096x1xf32, #tpu.memory_space<vmem>>) attributes {dimension_semantics = [], scalar_prefetch = 0 : i64, scratch_operands = 2 : i64, tpu.core_type = #tpu.core_type<tc>} {
    %get3A = arith.constant 0 : index
    %get3A_0 = arith.constant 0 : index
    %get3A_1 = vector.load %arg2[%get3A, %get3A_0] : memref<64x64xf32, #tpu.memory_space<vmem>>, vector<64x64xf32>
    %exp3A = math.exp %get3A_1 : vector<64x64xf32>
    %get3A_2 = arith.constant 0 : index
    %get3A_3 = arith.constant 0 : index
    %get3A_4 = vector.load %arg6[%get3A_2, %get3A_3] : memref<8x128xf32, #tpu.memory_space<vmem>>, vector<8x1xf32>
    %get3A_5 = arith.constant 0 : index
    %get3A_6 = arith.constant 0 : index
    %get3A_7 = vector.load %arg5[%get3A_5, %get3A_6] : memref<8x64xf32, #tpu.memory_space<vmem>>, vector<1x64xf32>
    %get3A_8 = arith.constant 0 : index
    %get3A_9 = arith.constant 0 : index
    %get3A_10 = vector.load %arg0[%get3A_8, %get3A_9] : memref<4096x128xf32, #tpu.memory_space<vmem>>, vector<256x64xf32>
    %get3A_11 = arith.constant 0 : index
    %get3A_12 = arith.constant 0 : index
    %get3A_13 = vector.load %arg1[%get3A_11, %get3A_12] : memref<4096x128xf32, #tpu.memory_space<vmem>>, vector<256x64xf32>
    %add3A = arith.addf %get3A_10, %get3A_13 : vector<256x64xf32>
    %broadcast_in_dim3A = vector.shape_cast %get3A_7 : vector<1x64xf32> to vector<1x64xf32>
    %broadcast_in_dim3A_14 = vector.broadcast %broadcast_in_dim3A : vector<1x64xf32> to vector<256x64xf32>
    %add3A_15 = arith.addf %add3A, %broadcast_in_dim3A_14 : vector<256x64xf32>
    %reduce_max3A = arith.constant dense<0xFF800000> : vector<256xf32>
    %reduce_max3A_16 = vector.multi_reduction <maximumf>, %add3A_15, %reduce_max3A [1] : vector<256x64xf32> to vector<256xf32>
    %broadcast_in_dim3A_17 = vector.shape_cast %reduce_max3A_16 : vector<256xf32> to vector<256x1xf32>
    %add3A_18 = arith.constant 2.080000e+00 : f32
    %add3A_19 = vector.broadcast %add3A_18 : f32 to vector<256x1xf32>
    %add3A_20 = arith.addf %broadcast_in_dim3A_17, %add3A_19 : vector<256x1xf32>
    %sub3A = vector.broadcast %add3A_20 : vector<256x1xf32> to vector<256x64xf32>
    %sub3A_21 = arith.subf %add3A_15, %sub3A : vector<256x64xf32>
    %exp3A_22 = math.exp %sub3A_21 : vector<256x64xf32>
    %swap3A = arith.constant 0 : index
    %swap3A_23 = arith.constant 0 : index
    %swap3A_24 = vector.load %arg8[%swap3A, %swap3A_23] : memref<4096x64xf32, #tpu.memory_space<vmem>>, vector<256x64xf32>
    tpu.vector_store %arg8[%swap3A, %swap3A_23], %exp3A_22 {strides = array<i32>} : memref<4096x64xf32, #tpu.memory_space<vmem>>, vector<256x64xf32>,
    %swap3A_25 = arith.constant 0 : index
    %swap3A_26 = arith.constant 0 : index
    %swap3A_27 = vector.load %arg9[%swap3A_25, %swap3A_26] : memref<4096x1xf32, #tpu.memory_space<vmem>>, vector<256x1xf32>
    tpu.vector_store %arg9[%swap3A_25, %swap3A_26], %add3A_20 {strides = array<i32>} : memref<4096x1xf32, #tpu.memory_space<vmem>>, vector<256x1xf32>,
    %get3A_28 = arith.constant 256 : index
    %get3A_29 = arith.constant 0 : index
    %get3A_30 = vector.load %arg0[%get3A_28, %get3A_29] : memref<4096x128xf32, #tpu.memory_space<vmem>>, vector<256x64xf32>
    %get3A_31 = arith.constant 256 : index
    %get3A_32 = arith.constant 0 : index
    %get3A_33 = vector.load %arg1[%get3A_31, %get3A_32] : memref<4096x128xf32, #tpu.memory_space<vmem>>, vector<256x64xf32>
    %add3A_34 = arith.addf %get3A_30, %get3A_33 : vector<256x64xf32>
    %broadcast_in_dim3A_35 = vector.shape_cast %get3A_7 : vector<1x64xf32> to vector<1x64xf32>
    %broadcast_in_dim3A_36 = vector.broadcast %broadcast_in_dim3A_35 : vector<1x64xf32> to vector<256x64xf32>
    %add3A_37 = arith.addf %add3A_34, %broadcast_in_dim3A_36 : vector<256x64xf32>
    %reduce_max3A_38 = arith.constant dense<0xFF800000> : vector<256xf32>
    %reduce_max3A_39 = vector.multi_reduction <maximumf>, %add3A_37, %reduce_max3A_38 [1] : vector<256x64xf32> to vector<256xf32>
    %broadcast_in_dim3A_40 = vector.shape_cast %reduce_max3A_39 : vector<256xf32> to vector<256x1xf32>
    %add3A_41 = arith.constant 2.080000e+00 : f32
    %add3A_42 = vector.broadcast %add3A_41 : f32 to vector<256x1xf32>
    %add3A_43 = arith.addf %broadcast_in_dim3A_40, %add3A_42 : vector<256x1xf32>
    %sub3A_44 = vector.broadcast %add3A_43 : vector<256x1xf32> to vector<256x64xf32>
    %sub3A_45 = arith.subf %add3A_37, %sub3A_44 : vector<256x64xf32>
    %exp3A_46 = math.exp %sub3A_45 : vector<256x64xf32>
    %swap3A_47 = arith.constant 256 : index
    %swap3A_48 = arith.constant 0 : index
    %swap3A_49 = vector.load %arg8[%swap3A_47, %swap3A_48] : memref<4096x64xf32, #tpu.memory_space<vmem>>, vector<256x64xf32>
    tpu.vector_store %arg8[%swap3A_47, %swap3A_48], %exp3A_46 {strides = array<i32>} : memref<4096x64xf32, #tpu.memory_space<vmem>>, vector<256x64xf32>,
    %swap3A_50 = arith.constant 256 : index
    %swap3A_51 = arith.constant 0 : index
    %swap3A_52 = vector.load %arg9[%swap3A_50, %swap3A_51] : memref<4096x1xf32, #tpu.memory_space<vmem>>, vector<256x1xf32>
    tpu.vector_store %arg9[%swap3A_50, %swap3A_51], %add3A_43 {strides = array<i32>} : memref<4096x1xf32, #tpu.memory_space<vmem>>, vector<256x1xf32>,
    %get3A_53 = arith.constant 512 : index
    %get3A_54 = arith.constant 0 : index
    %get3A_55 = vector.load %arg0[%get3A_53, %get3A_54] : memref<4096x128xf32, #tpu.memory_space<vmem>>, vector<256x64xf32>
    %get3A_56 = arith.constant 512 : index
    %get3A_57 = arith.constant 0 : index
    %get3A_58 = vector.load %arg1[%get3A_56, %get3A_57] : memref<4096x128xf32, #tpu.memory_space<vmem>>, vector<256x64xf32>
    %add3A_59 = arith.addf %get3A_55, %get3A_58 : vector<256x64xf32>
    %broadcast_in_dim3A_60 = vector.shape_cast %get3A_7 : vector<1x64xf32> to vector<1x64xf32>
    %broadcast_in_dim3A_61 = vector.broadcast %broadcast_in_dim3A_60 : vector<1x64xf32> to vector<256x64xf32>
    %add3A_62 = arith.addf %add3A_59, %broadcast_in_dim3A_61 : vector<256x64xf32>
    %reduce_max3A_63 = arith.constant dense<0xFF800000> : vector<256xf32>
    %reduce_max3A_64 = vector.multi_reduction <maximumf>, %add3A_62, %reduce_max3A_63 [1] : vector<256x64xf32> to vector<256xf32>
    %broadcast_in_dim3A_65 = vector.shape_cast %reduce_max3A_64 : vector<256xf32> to vector<256x1xf32>
    %add3A_66 = arith.constant 2.080000e+00 : f32
    %add3A_67 = vector.broadcast %add3A_66 : f32 to vector<256x1xf32>
    %add3A_68 = arith.addf %broadcast_in_dim3A_65, %add3A_67 : vector<256x1xf32>
    %sub3A_69 = vector.broadcast %add3A_68 : vector<256x1xf32> to vector<256x64xf32>
    %sub3A_70 = arith.subf %add3A_62, %sub3A_69 : vector<256x64xf32>
    %exp3A_71 = math.exp %sub3A_70 : vector<256x64xf32>
    %swap3A_72 = arith.constant 512 : index
    %swap3A_73 = arith.constant 0 : index
    %swap3A_74 = vector.load %arg8[%swap3A_72, %swap3A_73] : memref<4096x64xf32, #tpu.memory_space<vmem>>, vector<256x64xf32>
    tpu.vector_store %arg8[%swap3A_72, %swap3A_73], %exp3A_71 {strides = array<i32>} : memref<4096x64xf32, #tpu.memory_space<vmem>>, vector<256x64xf32>,
    %swap3A_75 = arith.constant 512 : index
    %swap3A_76 = arith.constant 0 : index
    %swap3A_77 = vector.load %arg9[%swap3A_75, %swap3A_76] : memref<4096x1xf32, #tpu.memory_space<vmem>>, vector<256x1xf32>
    tpu.vector_store %arg9[%swap3A_75, %swap3A_76], %add3A_68 {strides = array<i32>} : memref<4096x1xf32, #tpu.memory_space<vmem>>, vector<256x1xf32>,
    %get3A_78 = arith.constant 768 : index
    %get3A_79 = arith.constant 0 : index
    %get3A_80 = vector.load %arg0[%get3A_78, %get3A_79] : memref<4096x128xf32, #tpu.memory_space<vmem>>, vector<256x64xf32>
    %get3A_81 = arith.constant 768 : index
    %get3A_82 = arith.constant 0 : index
    %get3A_83 = vector.load %arg1[%get3A_81, %get3A_82] : memref<4096x128xf32, #tpu.memory_space<vmem>>, vector<256x64xf32>
    %add3A_84 = arith.addf %get3A_80, %get3A_83 : vector<256x64xf32>
    %broadcast_in_dim3A_85 = vector.shape_cast %get3A_7 : vector<1x64xf32> to vector<1x64xf32>
    %broadcast_in_dim3A_86 = vector.broadcast %broadcast_in_dim3A_85 : vector<1x64xf32> to vector<256x64xf32>
    %add3A_87 = arith.addf %add3A_84, %broadcast_in_dim3A_86 : vector<256x64xf32>
    %reduce_max3A_88 = arith.constant dense<0xFF800000> : vector<256xf32>
    %reduce_max3A_89 = vector.multi_reduction <maximumf>, %add3A_87, %reduce_max3A_88 [1] : vector<256x64xf32> to vector<256xf32>
    %broadcast_in_dim3A_90 = vector.shape_cast %reduce_max3A_89 : vector<256xf32> to vector<256x1xf32>
    %add3A_91 = arith.constant 2.080000e+00 : f32
    %add3A_92 = vector.broadcast %add3A_91 : f32 to vector<256x1xf32>
    %add3A_93 = arith.addf %broadcast_in_dim3A_90, %add3A_92 : vector<256x1xf32>
    %sub3A_94 = vector.broadcast %add3A_93 : vector<256x1xf32> to vector<256x64xf32>
    %sub3A_95 = arith.subf %add3A_87, %sub3A_94 : vector<256x64xf32>
    %exp3A_96 = math.exp %sub3A_95 : vector<256x64xf32>
    %swap3A_97 = arith.constant 768 : index
    %swap3A_98 = arith.constant 0 : index
    %swap3A_99 = vector.load %arg8[%swap3A_97, %swap3A_98] : memref<4096x64xf32, #tpu.memory_space<vmem>>, vector<256x64xf32>
    tpu.vector_store %arg8[%swap3A_97, %swap3A_98], %exp3A_96 {strides = array<i32>} : memref<4096x64xf32, #tpu.memory_space<vmem>>, vector<256x64xf32>,
    %swap3A_100 = arith.constant 768 : index
    %swap3A_101 = arith.constant 0 : index
    %swap3A_102 = vector.load %arg9[%swap3A_100, %swap3A_101] : memref<4096x1xf32, #tpu.memory_space<vmem>>, vector<256x1xf32>
    tpu.vector_store %arg9[%swap3A_100, %swap3A_101], %add3A_93 {strides = array<i32>} : memref<4096x1xf32, #tpu.memory_space<vmem>>, vector<256x1xf32>,
    %get3A_103 = arith.constant 1024 : index
    %get3A_104 = arith.constant 0 : index
    %get3A_105 = vector.load %arg0[%get3A_103, %get3A_104] : memref<4096x128xf32, #tpu.memory_space<vmem>>, vector<256x64xf32>
    %get3A_106 = arith.constant 1024 : index
    %get3A_107 = arith.constant 0 : index
    %get3A_108 = vector.load %arg1[%get3A_106, %get3A_107] : memref<4096x128xf32, #tpu.memory_space<vmem>>, vector<256x64xf32>
    %add3A_109 = arith.addf %get3A_105, %get3A_108 : vector<256x64xf32>
    %broadcast_in_dim3A_110 = vector.shape_cast %get3A_7 : vector<1x64xf32> to vector<1x64xf32>
    %broadcast_in_dim3A_111 = vector.broadcast %broadcast_in_dim3A_110 : vector<1x64xf32> to vector<256x64xf32>
    %add3A_112 = arith.addf %add3A_109, %broadcast_in_dim3A_111 : vector<256x64xf32>
    %reduce_max3A_113 = arith.constant dense<0xFF800000> : vector<256xf32>
    %reduce_max3A_114 = vector.multi_reduction <maximumf>, %add3A_112, %reduce_max3A_113 [1] : vector<256x64xf32> to vector<256xf32>
    %broadcast_in_dim3A_115 = vector.shape_cast %reduce_max3A_114 : vector<256xf32> to vector<256x1xf32>
    %add3A_116 = arith.constant 2.080000e+00 : f32
    %add3A_117 = vector.broadcast %add3A_116 : f32 to vector<256x1xf32>
    %add3A_118 = arith.addf %broadcast_in_dim3A_115, %add3A_117 : vector<256x1xf32>
    %sub3A_119 = vector.broadcast %add3A_118 : vector<256x1xf32> to vector<256x64xf32>
    %sub3A_120 = arith.subf %add3A_112, %sub3A_119 : vector<256x64xf32>
    %exp3A_121 = math.exp %sub3A_120 : vector<256x64xf32>
    %swap3A_122 = arith.constant 1024 : index
    %swap3A_123 = arith.constant 0 : index
    %swap3A_124 = vector.load %arg8[%swap3A_122, %swap3A_123] : memref<4096x64xf32, #tpu.memory_space<vmem>>, vector<256x64xf32>
    tpu.vector_store %arg8[%swap3A_122, %swap3A_123], %exp3A_121 {strides = array<i32>} : memref<4096x64xf32, #tpu.memory_space<vmem>>, vector<256x64xf32>,
    %swap3A_125 = arith.constant 1024 : index
    %swap3A_126 = arith.constant 0 : index
    %swap3A_127 = vector.load %arg9[%swap3A_125, %swap3A_126] : memref<4096x1xf32, #tpu.memory_space<vmem>>, vector<256x1xf32>
    tpu.vector_store %arg9[%swap3A_125, %swap3A_126], %add3A_118 {strides = array<i32>} : memref<4096x1xf32, #tpu.memory_space<vmem>>, vector<256x1xf32>,
    %get3A_128 = arith.constant 1280 : index
    %get3A_129 = arith.constant 0 : index
    %get3A_130 = vector.load %arg0[%get3A_128, %get3A_129] : memref<4096x128xf32, #tpu.memory_space<vmem>>, vector<256x64xf32>
    %get3A_131 = arith.constant 1280 : index
    %get3A_132 = arith.constant 0 : index
    %get3A_133 = vector.load %arg1[%get3A_131, %get3A_132] : memref<4096x128xf32, #tpu.memory_space<vmem>>, vector<256x64xf32>
    %add3A_134 = arith.addf %get3A_130, %get3A_133 : vector<256x64xf32>
    %broadcast_in_dim3A_135 = vector.shape_cast %get3A_7 : vector<1x64xf32> to vector<1x64xf32>
    %broadcast_in_dim3A_136 = vector.broadcast %broadcast_in_dim3A_135 : vector<1x64xf32> to vector<256x64xf32>
    %add3A_137 = arith.addf %add3A_134, %broadcast_in_dim3A_136 : vector<256x64xf32>
    %reduce_max3A_138 = arith.constant dense<0xFF800000> : vector<256xf32>
    %reduce_max3A_139 = vector.multi_reduction <maximumf>, %add3A_137, %reduce_max3A_138 [1] : vector<256x64xf32> to vector<256xf32>
    %broadcast_in_dim3A_140 = vector.shape_cast %reduce_max3A_139 : vector<256xf32> to vector<256x1xf32>
    %add3A_141 = arith.constant 2.080000e+00 : f32
    %add3A_142 = vector.broadcast %add3A_141 : f32 to vector<256x1xf32>
    %add3A_143 = arith.addf %broadcast_in_dim3A_140, %add3A_142 : vector<256x1xf32>
    %sub3A_144 = vector.broadcast %add3A_143 : vector<256x1xf32> to vector<256x64xf32>
    %sub3A_145 = arith.subf %add3A_137, %sub3A_144 : vector<256x64xf32>
    %exp3A_146 = math.exp %sub3A_145 : vector<256x64xf32>
    %swap3A_147 = arith.constant 1280 : index
    %swap3A_148 = arith.constant 0 : index
    %swap3A_149 = vector.load %arg8[%swap3A_147, %swap3A_148] : memref<4096x64xf32, #tpu.memory_space<vmem>>, vector<256x64xf32>
    tpu.vector_store %arg8[%swap3A_147, %swap3A_148], %exp3A_146 {strides = array<i32>} : memref<4096x64xf32, #tpu.memory_space<vmem>>, vector<256x64xf32>,
    %swap3A_150 = arith.constant 1280 : index
    %swap3A_151 = arith.constant 0 : index
    %swap3A_152 = vector.load %arg9[%swap3A_150, %swap3A_151] : memref<4096x1xf32, #tpu.memory_space<vmem>>, vector<256x1xf32>
    tpu.vector_store %arg9[%swap3A_150, %swap3A_151], %add3A_143 {strides = array<i32>} : memref<4096x1xf32, #tpu.memory_space<vmem>>, vector<256x1xf32>,
    %get3A_153 = arith.constant 1536 : index
    %get3A_154 = arith.constant 0 : index
    %get3A_155 = vector.load %arg0[%get3A_153, %get3A_154] : memref<4096x128xf32, #tpu.memory_space<vmem>>, vector<256x64xf32>
    %get3A_156 = arith.constant 1536 : index
    %get3A_157 = arith.constant 0 : index
    %get3A_158 = vector.load %arg1[%get3A_156, %get3A_157] : memref<4096x128xf32, #tpu.memory_space<vmem>>, vector<256x64xf32>
    %add3A_159 = arith.addf %get3A_155, %get3A_158 : vector<256x64xf32>
    %broadcast_in_dim3A_160 = vector.shape_cast %get3A_7 : vector<1x64xf32> to vector<1x64xf32>
    %broadcast_in_dim3A_161 = vector.broadcast %broadcast_in_dim3A_160 : vector<1x64xf32> to vector<256x64xf32>
    %add3A_162 = arith.addf %add3A_159, %broadcast_in_dim3A_161 : vector<256x64xf32>
    %reduce_max3A_163 = arith.constant dense<0xFF800000> : vector<256xf32>
    %reduce_max3A_164 = vector.multi_reduction <maximumf>, %add3A_162, %reduce_max3A_163 [1] : vector<256x64xf32> to vector<256xf32>
    %broadcast_in_dim3A_165 = vector.shape_cast %reduce_max3A_164 : vector<256xf32> to vector<256x1xf32>
    %add3A_166 = arith.constant 2.080000e+00 : f32
    %add3A_167 = vector.broadcast %add3A_166 : f32 to vector<256x1xf32>
    %add3A_168 = arith.addf %broadcast_in_dim3A_165, %add3A_167 : vector<256x1xf32>
    %sub3A_169 = vector.broadcast %add3A_168 : vector<256x1xf32> to vector<256x64xf32>
    %sub3A_170 = arith.subf %add3A_162, %sub3A_169 : vector<256x64xf32>
    %exp3A_171 = math.exp %sub3A_170 : vector<256x64xf32>
    %swap3A_172 = arith.constant 1536 : index
    %swap3A_173 = arith.constant 0 : index
    %swap3A_174 = vector.load %arg8[%swap3A_172, %swap3A_173] : memref<4096x64xf32, #tpu.memory_space<vmem>>, vector<256x64xf32>
    tpu.vector_store %arg8[%swap3A_172, %swap3A_173], %exp3A_171 {strides = array<i32>} : memref<4096x64xf32, #tpu.memory_space<vmem>>, vector<256x64xf32>,
    %swap3A_175 = arith.constant 1536 : index
    %swap3A_176 = arith.constant 0 : index
    %swap3A_177 = vector.load %arg9[%swap3A_175, %swap3A_176] : memref<4096x1xf32, #tpu.memory_space<vmem>>, vector<256x1xf32>
    tpu.vector_store %arg9[%swap3A_175, %swap3A_176], %add3A_168 {strides = array<i32>} : memref<4096x1xf32, #tpu.memory_space<vmem>>, vector<256x1xf32>,
    %get3A_178 = arith.constant 1792 : index
    %get3A_179 = arith.constant 0 : index
    %get3A_180 = vector.load %arg0[%get3A_178, %get3A_179] : memref<4096x128xf32, #tpu.memory_space<vmem>>, vector<256x64xf32>
    %get3A_181 = arith.constant 1792 : index
    %get3A_182 = arith.constant 0 : index
    %get3A_183 = vector.load %arg1[%get3A_181, %get3A_182] : memref<4096x128xf32, #tpu.memory_space<vmem>>, vector<256x64xf32>
    %add3A_184 = arith.addf %get3A_180, %get3A_183 : vector<256x64xf32>
    %broadcast_in_dim3A_185 = vector.shape_cast %get3A_7 : vector<1x64xf32> to vector<1x64xf32>
    %broadcast_in_dim3A_186 = vector.broadcast %broadcast_in_dim3A_185 : vector<1x64xf32> to vector<256x64xf32>
    %add3A_187 = arith.addf %add3A_184, %broadcast_in_dim3A_186 : vector<256x64xf32>
    %reduce_max3A_188 = arith.constant dense<0xFF800000> : vector<256xf32>
    %reduce_max3A_189 = vector.multi_reduction <maximumf>, %add3A_187, %reduce_max3A_188 [1] : vector<256x64xf32> to vector<256xf32>
    %broadcast_in_dim3A_190 = vector.shape_cast %reduce_max3A_189 : vector<256xf32> to vector<256x1xf32>
    %add3A_191 = arith.constant 2.080000e+00 : f32
    %add3A_192 = vector.broadcast %add3A_191 : f32 to vector<256x1xf32>
    %add3A_193 = arith.addf %broadcast_in_dim3A_190, %add3A_192 : vector<256x1xf32>
    %sub3A_194 = vector.broadcast %add3A_193 : vector<256x1xf32> to vector<256x64xf32>
    %sub3A_195 = arith.subf %add3A_187, %sub3A_194 : vector<256x64xf32>
    %exp3A_196 = math.exp %sub3A_195 : vector<256x64xf32>
    %swap3A_197 = arith.constant 1792 : index
    %swap3A_198 = arith.constant 0 : index
    %swap3A_199 = vector.load %arg8[%swap3A_197, %swap3A_198] : memref<4096x64xf32, #tpu.memory_space<vmem>>, vector<256x64xf32>
    tpu.vector_store %arg8[%swap3A_197, %swap3A_198], %exp3A_196 {strides = array<i32>} : memref<4096x64xf32, #tpu.memory_space<vmem>>, vector<256x64xf32>,
    %swap3A_200 = arith.constant 1792 : index
    %swap3A_201 = arith.constant 0 : index
    %swap3A_202 = vector.load %arg9[%swap3A_200, %swap3A_201] : memref<4096x1xf32, #tpu.memory_space<vmem>>, vector<256x1xf32>
    tpu.vector_store %arg9[%swap3A_200, %swap3A_201], %add3A_193 {strides = array<i32>} : memref<4096x1xf32, #tpu.memory_space<vmem>>, vector<256x1xf32>,
    %get3A_203 = arith.constant 2048 : index
    %get3A_204 = arith.constant 0 : index
    %get3A_205 = vector.load %arg0[%get3A_203, %get3A_204] : memref<4096x128xf32, #tpu.memory_space<vmem>>, vector<256x64xf32>
    %get3A_206 = arith.constant 2048 : index
    %get3A_207 = arith.constant 0 : index
    %get3A_208 = vector.load %arg1[%get3A_206, %get3A_207] : memref<4096x128xf32, #tpu.memory_space<vmem>>, vector<256x64xf32>
    %add3A_209 = arith.addf %get3A_205, %get3A_208 : vector<256x64xf32>
    %broadcast_in_dim3A_210 = vector.shape_cast %get3A_7 : vector<1x64xf32> to vector<1x64xf32>
    %broadcast_in_dim3A_211 = vector.broadcast %broadcast_in_dim3A_210 : vector<1x64xf32> to vector<256x64xf32>
    %add3A_212 = arith.addf %add3A_209, %broadcast_in_dim3A_211 : vector<256x64xf32>
    %reduce_max3A_213 = arith.constant dense<0xFF800000> : vector<256xf32>
    %reduce_max3A_214 = vector.multi_reduction <maximumf>, %add3A_212, %reduce_max3A_213 [1] : vector<256x64xf32> to vector<256xf32>
    %broadcast_in_dim3A_215 = vector.shape_cast %reduce_max3A_214 : vector<256xf32> to vector<256x1xf32>
    %add3A_216 = arith.constant 2.080000e+00 : f32
    %add3A_217 = vector.broadcast %add3A_216 : f32 to vector<256x1xf32>
    %add3A_218 = arith.addf %broadcast_in_dim3A_215, %add3A_217 : vector<256x1xf32>
    %sub3A_219 = vector.broadcast %add3A_218 : vector<256x1xf32> to vector<256x64xf32>
    %sub3A_220 = arith.subf %add3A_212, %sub3A_219 : vector<256x64xf32>
    %exp3A_221 = math.exp %sub3A_220 : vector<256x64xf32>
    %swap3A_222 = arith.constant 2048 : index
    %swap3A_223 = arith.constant 0 : index
    %swap3A_224 = vector.load %arg8[%swap3A_222, %swap3A_223] : memref<4096x64xf32, #tpu.memory_space<vmem>>, vector<256x64xf32>
    tpu.vector_store %arg8[%swap3A_222, %swap3A_223], %exp3A_221 {strides = array<i32>} : memref<4096x64xf32, #tpu.memory_space<vmem>>, vector<256x64xf32>,
    %swap3A_225 = arith.constant 2048 : index
    %swap3A_226 = arith.constant 0 : index
    %swap3A_227 = vector.load %arg9[%swap3A_225, %swap3A_226] : memref<4096x1xf32, #tpu.memory_space<vmem>>, vector<256x1xf32>
    tpu.vector_store %arg9[%swap3A_225, %swap3A_226], %add3A_218 {strides = array<i32>} : memref<4096x1xf32, #tpu.memory_space<vmem>>, vector<256x1xf32>,
    %get3A_228 = arith.constant 2304 : index
    %get3A_229 = arith.constant 0 : index
    %get3A_230 = vector.load %arg0[%get3A_228, %get3A_229] : memref<4096x128xf32, #tpu.memory_space<vmem>>, vector<256x64xf32>
    %get3A_231 = arith.constant 2304 : index
    %get3A_232 = arith.constant 0 : index
    %get3A_233 = vector.load %arg1[%get3A_231, %get3A_232] : memref<4096x128xf32, #tpu.memory_space<vmem>>, vector<256x64xf32>
    %add3A_234 = arith.addf %get3A_230, %get3A_233 : vector<256x64xf32>
    %broadcast_in_dim3A_235 = vector.shape_cast %get3A_7 : vector<1x64xf32> to vector<1x64xf32>
    %broadcast_in_dim3A_236 = vector.broadcast %broadcast_in_dim3A_235 : vector<1x64xf32> to vector<256x64xf32>
    %add3A_237 = arith.addf %add3A_234, %broadcast_in_dim3A_236 : vector<256x64xf32>
    %reduce_max3A_238 = arith.constant dense<0xFF800000> : vector<256xf32>
    %reduce_max3A_239 = vector.multi_reduction <maximumf>, %add3A_237, %reduce_max3A_238 [1] : vector<256x64xf32> to vector<256xf32>
    %broadcast_in_dim3A_240 = vector.shape_cast %reduce_max3A_239 : vector<256xf32> to vector<256x1xf32>
    %add3A_241 = arith.constant 2.080000e+00 : f32
    %add3A_242 = vector.broadcast %add3A_241 : f32 to vector<256x1xf32>
    %add3A_243 = arith.addf %broadcast_in_dim3A_240, %add3A_242 : vector<256x1xf32>
    %sub3A_244 = vector.broadcast %add3A_243 : vector<256x1xf32> to vector<256x64xf32>
    %sub3A_245 = arith.subf %add3A_237, %sub3A_244 : vector<256x64xf32>
    %exp3A_246 = math.exp %sub3A_245 : vector<256x64xf32>
    %swap3A_247 = arith.constant 2304 : index
    %swap3A_248 = arith.constant 0 : index
    %swap3A_249 = vector.load %arg8[%swap3A_247, %swap3A_248] : memref<4096x64xf32, #tpu.memory_space<vmem>>, vector<256x64xf32>
    tpu.vector_store %arg8[%swap3A_247, %swap3A_248], %exp3A_246 {strides = array<i32>} : memref<4096x64xf32, #tpu.memory_space<vmem>>, vector<256x64xf32>,
    %swap3A_250 = arith.constant 2304 : index
    %swap3A_251 = arith.constant 0 : index
    %swap3A_252 = vector.load %arg9[%swap3A_250, %swap3A_251] : memref<4096x1xf32, #tpu.memory_space<vmem>>, vector<256x1xf32>
    tpu.vector_store %arg9[%swap3A_250, %swap3A_251], %add3A_243 {strides = array<i32>} : memref<4096x1xf32, #tpu.memory_space<vmem>>, vector<256x1xf32>,
    %get3A_253 = arith.constant 2560 : index
    %get3A_254 = arith.constant 0 : index
    %get3A_255 = vector.load %arg0[%get3A_253, %get3A_254] : memref<4096x128xf32, #tpu.memory_space<vmem>>, vector<256x64xf32>
    %get3A_256 = arith.constant 2560 : index
    %get3A_257 = arith.constant 0 : index
    %get3A_258 = vector.load %arg1[%get3A_256, %get3A_257] : memref<4096x128xf32, #tpu.memory_space<vmem>>, vector<256x64xf32>
    %add3A_259 = arith.addf %get3A_255, %get3A_258 : vector<256x64xf32>
    %broadcast_in_dim3A_260 = vector.shape_cast %get3A_7 : vector<1x64xf32> to vector<1x64xf32>
    %broadcast_in_dim3A_261 = vector.broadcast %broadcast_in_dim3A_260 : vector<1x64xf32> to vector<256x64xf32>
    %add3A_262 = arith.addf %add3A_259, %broadcast_in_dim3A_261 : vector<256x64xf32>
    %reduce_max3A_263 = arith.constant dense<0xFF800000> : vector<256xf32>
    %reduce_max3A_264 = vector.multi_reduction <maximumf>, %add3A_262, %reduce_max3A_263 [1] : vector<256x64xf32> to vector<256xf32>
    %broadcast_in_dim3A_265 = vector.shape_cast %reduce_max3A_264 : vector<256xf32> to vector<256x1xf32>
    %add3A_266 = arith.constant 2.080000e+00 : f32
    %add3A_267 = vector.broadcast %add3A_266 : f32 to vector<256x1xf32>
    %add3A_268 = arith.addf %broadcast_in_dim3A_265, %add3A_267 : vector<256x1xf32>
    %sub3A_269 = vector.broadcast %add3A_268 : vector<256x1xf32> to vector<256x64xf32>
    %sub3A_270 = arith.subf %add3A_262, %sub3A_269 : vector<256x64xf32>
    %exp3A_271 = math.exp %sub3A_270 : vector<256x64xf32>
    %swap3A_272 = arith.constant 2560 : index
    %swap3A_273 = arith.constant 0 : index
    %swap3A_274 = vector.load %arg8[%swap3A_272, %swap3A_273] : memref<4096x64xf32, #tpu.memory_space<vmem>>, vector<256x64xf32>
    tpu.vector_store %arg8[%swap3A_272, %swap3A_273], %exp3A_271 {strides = array<i32>} : memref<4096x64xf32, #tpu.memory_space<vmem>>, vector<256x64xf32>,
    %swap3A_275 = arith.constant 2560 : index
    %swap3A_276 = arith.constant 0 : index
    %swap3A_277 = vector.load %arg9[%swap3A_275, %swap3A_276] : memref<4096x1xf32, #tpu.memory_space<vmem>>, vector<256x1xf32>
    tpu.vector_store %arg9[%swap3A_275, %swap3A_276], %add3A_268 {strides = array<i32>} : memref<4096x1xf32, #tpu.memory_space<vmem>>, vector<256x1xf32>,
    %get3A_278 = arith.constant 2816 : index
    %get3A_279 = arith.constant 0 : index
    %get3A_280 = vector.load %arg0[%get3A_278, %get3A_279] : memref<4096x128xf32, #tpu.memory_space<vmem>>, vector<256x64xf32>
    %get3A_281 = arith.constant 2816 : index
    %get3A_282 = arith.constant 0 : index
    %get3A_283 = vector.load %arg1[%get3A_281, %get3A_282] : memref<4096x128xf32, #tpu.memory_space<vmem>>, vector<256x64xf32>
    %add3A_284 = arith.addf %get3A_280, %get3A_283 : vector<256x64xf32>
    %broadcast_in_dim3A_285 = vector.shape_cast %get3A_7 : vector<1x64xf32> to vector<1x64xf32>
    %broadcast_in_dim3A_286 = vector.broadcast %broadcast_in_dim3A_285 : vector<1x64xf32> to vector<256x64xf32>
    %add3A_287 = arith.addf %add3A_284, %broadcast_in_dim3A_286 : vector<256x64xf32>
    %reduce_max3A_288 = arith.constant dense<0xFF800000> : vector<256xf32>
    %reduce_max3A_289 = vector.multi_reduction <maximumf>, %add3A_287, %reduce_max3A_288 [1] : vector<256x64xf32> to vector<256xf32>
    %broadcast_in_dim3A_290 = vector.shape_cast %reduce_max3A_289 : vector<256xf32> to vector<256x1xf32>
    %add3A_291 = arith.constant 2.080000e+00 : f32
    %add3A_292 = vector.broadcast %add3A_291 : f32 to vector<256x1xf32>
    %add3A_293 = arith.addf %broadcast_in_dim3A_290, %add3A_292 : vector<256x1xf32>
    %sub3A_294 = vector.broadcast %add3A_293 : vector<256x1xf32> to vector<256x64xf32>
    %sub3A_295 = arith.subf %add3A_287, %sub3A_294 : vector<256x64xf32>
    %exp3A_296 = math.exp %sub3A_295 : vector<256x64xf32>
    %swap3A_297 = arith.constant 2816 : index
    %swap3A_298 = arith.constant 0 : index
    %swap3A_299 = vector.load %arg8[%swap3A_297, %swap3A_298] : memref<4096x64xf32, #tpu.memory_space<vmem>>, vector<256x64xf32>
    tpu.vector_store %arg8[%swap3A_297, %swap3A_298], %exp3A_296 {strides = array<i32>} : memref<4096x64xf32, #tpu.memory_space<vmem>>, vector<256x64xf32>,
    %swap3A_300 = arith.constant 2816 : index
    %swap3A_301 = arith.constant 0 : index
    %swap3A_302 = vector.load %arg9[%swap3A_300, %swap3A_301] : memref<4096x1xf32, #tpu.memory_space<vmem>>, vector<256x1xf32>
    tpu.vector_store %arg9[%swap3A_300, %swap3A_301], %add3A_293 {strides = array<i32>} : memref<4096x1xf32, #tpu.memory_space<vmem>>, vector<256x1xf32>,
    %get3A_303 = arith.constant 3072 : index
    %get3A_304 = arith.constant 0 : index
    %get3A_305 = vector.load %arg0[%get3A_303, %get3A_304] : memref<4096x128xf32, #tpu.memory_space<vmem>>, vector<256x64xf32>
    %get3A_306 = arith.constant 3072 : index
    %get3A_307 = arith.constant 0 : index
    %get3A_308 = vector.load %arg1[%get3A_306, %get3A_307] : memref<4096x128xf32, #tpu.memory_space<vmem>>, vector<256x64xf32>
    %add3A_309 = arith.addf %get3A_305, %get3A_308 : vector<256x64xf32>
    %broadcast_in_dim3A_310 = vector.shape_cast %get3A_7 : vector<1x64xf32> to vector<1x64xf32>
    %broadcast_in_dim3A_311 = vector.broadcast %broadcast_in_dim3A_310 : vector<1x64xf32> to vector<256x64xf32>
    %add3A_312 = arith.addf %add3A_309, %broadcast_in_dim3A_311 : vector<256x64xf32>
    %reduce_max3A_313 = arith.constant dense<0xFF800000> : vector<256xf32>
    %reduce_max3A_314 = vector.multi_reduction <maximumf>, %add3A_312, %reduce_max3A_313 [1] : vector<256x64xf32> to vector<256xf32>
    %broadcast_in_dim3A_315 = vector.shape_cast %reduce_max3A_314 : vector<256xf32> to vector<256x1xf32>
    %add3A_316 = arith.constant 2.080000e+00 : f32
    %add3A_317 = vector.broadcast %add3A_316 : f32 to vector<256x1xf32>
    %add3A_318 = arith.addf %broadcast_in_dim3A_315, %add3A_317 : vector<256x1xf32>
    %sub3A_319 = vector.broadcast %add3A_318 : vector<256x1xf32> to vector<256x64xf32>
    %sub3A_320 = arith.subf %add3A_312, %sub3A_319 : vector<256x64xf32>
    %exp3A_321 = math.exp %sub3A_320 : vector<256x64xf32>
    %swap3A_322 = arith.constant 3072 : index
    %swap3A_323 = arith.constant 0 : index
    %swap3A_324 = vector.load %arg8[%swap3A_322, %swap3A_323] : memref<4096x64xf32, #tpu.memory_space<vmem>>, vector<256x64xf32>
    tpu.vector_store %arg8[%swap3A_322, %swap3A_323], %exp3A_321 {strides = array<i32>} : memref<4096x64xf32, #tpu.memory_space<vmem>>, vector<256x64xf32>,
    %swap3A_325 = arith.constant 3072 : index
    %swap3A_326 = arith.constant 0 : index
    %swap3A_327 = vector.load %arg9[%swap3A_325, %swap3A_326] : memref<4096x1xf32, #tpu.memory_space<vmem>>, vector<256x1xf32>
    tpu.vector_store %arg9[%swap3A_325, %swap3A_326], %add3A_318 {strides = array<i32>} : memref<4096x1xf32, #tpu.memory_space<vmem>>, vector<256x1xf32>,
    %get3A_328 = arith.constant 3328 : index
    %get3A_329 = arith.constant 0 : index
    %get3A_330 = vector.load %arg0[%get3A_328, %get3A_329] : memref<4096x128xf32, #tpu.memory_space<vmem>>, vector<256x64xf32>
    %get3A_331 = arith.constant 3328 : index
    %get3A_332 = arith.constant 0 : index
    %get3A_333 = vector.load %arg1[%get3A_331, %get3A_332] : memref<4096x128xf32, #tpu.memory_space<vmem>>, vector<256x64xf32>
    %add3A_334 = arith.addf %get3A_330, %get3A_333 : vector<256x64xf32>
    %broadcast_in_dim3A_335 = vector.shape_cast %get3A_7 : vector<1x64xf32> to vector<1x64xf32>
    %broadcast_in_dim3A_336 = vector.broadcast %broadcast_in_dim3A_335 : vector<1x64xf32> to vector<256x64xf32>
    %add3A_337 = arith.addf %add3A_334, %broadcast_in_dim3A_336 : vector<256x64xf32>
    %reduce_max3A_338 = arith.constant dense<0xFF800000> : vector<256xf32>
    %reduce_max3A_339 = vector.multi_reduction <maximumf>, %add3A_337, %reduce_max3A_338 [1] : vector<256x64xf32> to vector<256xf32>
    %broadcast_in_dim3A_340 = vector.shape_cast %reduce_max3A_339 : vector<256xf32> to vector<256x1xf32>
    %add3A_341 = arith.constant 2.080000e+00 : f32
    %add3A_342 = vector.broadcast %add3A_341 : f32 to vector<256x1xf32>
    %add3A_343 = arith.addf %broadcast_in_dim3A_340, %add3A_342 : vector<256x1xf32>
    %sub3A_344 = vector.broadcast %add3A_343 : vector<256x1xf32> to vector<256x64xf32>
    %sub3A_345 = arith.subf %add3A_337, %sub3A_344 : vector<256x64xf32>
    %exp3A_346 = math.exp %sub3A_345 : vector<256x64xf32>
    %swap3A_347 = arith.constant 3328 : index
    %swap3A_348 = arith.constant 0 : index
    %swap3A_349 = vector.load %arg8[%swap3A_347, %swap3A_348] : memref<4096x64xf32, #tpu.memory_space<vmem>>, vector<256x64xf32>
    tpu.vector_store %arg8[%swap3A_347, %swap3A_348], %exp3A_346 {strides = array<i32>} : memref<4096x64xf32, #tpu.memory_space<vmem>>, vector<256x64xf32>,
    %swap3A_350 = arith.constant 3328 : index
    %swap3A_351 = arith.constant 0 : index
    %swap3A_352 = vector.load %arg9[%swap3A_350, %swap3A_351] : memref<4096x1xf32, #tpu.memory_space<vmem>>, vector<256x1xf32>
    tpu.vector_store %arg9[%swap3A_350, %swap3A_351], %add3A_343 {strides = array<i32>} : memref<4096x1xf32, #tpu.memory_space<vmem>>, vector<256x1xf32>,
    %get3A_353 = arith.constant 3584 : index
    %get3A_354 = arith.constant 0 : index
    %get3A_355 = vector.load %arg0[%get3A_353, %get3A_354] : memref<4096x128xf32, #tpu.memory_space<vmem>>, vector<256x64xf32>
    %get3A_356 = arith.constant 3584 : index
    %get3A_357 = arith.constant 0 : index
    %get3A_358 = vector.load %arg1[%get3A_356, %get3A_357] : memref<4096x128xf32, #tpu.memory_space<vmem>>, vector<256x64xf32>
    %add3A_359 = arith.addf %get3A_355, %get3A_358 : vector<256x64xf32>
    %broadcast_in_dim3A_360 = vector.shape_cast %get3A_7 : vector<1x64xf32> to vector<1x64xf32>
    %broadcast_in_dim3A_361 = vector.broadcast %broadcast_in_dim3A_360 : vector<1x64xf32> to vector<256x64xf32>
    %add3A_362 = arith.addf %add3A_359, %broadcast_in_dim3A_361 : vector<256x64xf32>
    %reduce_max3A_363 = arith.constant dense<0xFF800000> : vector<256xf32>
    %reduce_max3A_364 = vector.multi_reduction <maximumf>, %add3A_362, %reduce_max3A_363 [1] : vector<256x64xf32> to vector<256xf32>
    %broadcast_in_dim3A_365 = vector.shape_cast %reduce_max3A_364 : vector<256xf32> to vector<256x1xf32>
    %add3A_366 = arith.constant 2.080000e+00 : f32
    %add3A_367 = vector.broadcast %add3A_366 : f32 to vector<256x1xf32>
    %add3A_368 = arith.addf %broadcast_in_dim3A_365, %add3A_367 : vector<256x1xf32>
    %sub3A_369 = vector.broadcast %add3A_368 : vector<256x1xf32> to vector<256x64xf32>
    %sub3A_370 = arith.subf %add3A_362, %sub3A_369 : vector<256x64xf32>
    %exp3A_371 = math.exp %sub3A_370 : vector<256x64xf32>
    %swap3A_372 = arith.constant 3584 : index
    %swap3A_373 = arith.constant 0 : index
    %swap3A_374 = vector.load %arg8[%swap3A_372, %swap3A_373] : memref<4096x64xf32, #tpu.memory_space<vmem>>, vector<256x64xf32>
    tpu.vector_store %arg8[%swap3A_372, %swap3A_373], %exp3A_371 {strides = array<i32>} : memref<4096x64xf32, #tpu.memory_space<vmem>>, vector<256x64xf32>,
    %swap3A_375 = arith.constant 3584 : index
    %swap3A_376 = arith.constant 0 : index
    %swap3A_377 = vector.load %arg9[%swap3A_375, %swap3A_376] : memref<4096x1xf32, #tpu.memory_space<vmem>>, vector<256x1xf32>
    tpu.vector_store %arg9[%swap3A_375, %swap3A_376], %add3A_368 {strides = array<i32>} : memref<4096x1xf32, #tpu.memory_space<vmem>>, vector<256x1xf32>,
    %get3A_378 = arith.constant 3840 : index
    %get3A_379 = arith.constant 0 : index
    %get3A_380 = vector.load %arg0[%get3A_378, %get3A_379] : memref<4096x128xf32, #tpu.memory_space<vmem>>, vector<256x64xf32>
    %get3A_381 = arith.constant 3840 : index
    %get3A_382 = arith.constant 0 : index
    %get3A_383 = vector.load %arg1[%get3A_381, %get3A_382] : memref<4096x128xf32, #tpu.memory_space<vmem>>, vector<256x64xf32>
    %add3A_384 = arith.addf %get3A_380, %get3A_383 : vector<256x64xf32>
    %broadcast_in_dim3A_385 = vector.shape_cast %get3A_7 : vector<1x64xf32> to vector<1x64xf32>
    %broadcast_in_dim3A_386 = vector.broadcast %broadcast_in_dim3A_385 : vector<1x64xf32> to vector<256x64xf32>
    %add3A_387 = arith.addf %add3A_384, %broadcast_in_dim3A_386 : vector<256x64xf32>
    %reduce_max3A_388 = arith.constant dense<0xFF800000> : vector<256xf32>
    %reduce_max3A_389 = vector.multi_reduction <maximumf>, %add3A_387, %reduce_max3A_388 [1] : vector<256x64xf32> to vector<256xf32>
    %broadcast_in_dim3A_390 = vector.shape_cast %reduce_max3A_389 : vector<256xf32> to vector<256x1xf32>
    %add3A_391 = arith.constant 2.080000e+00 : f32
    %add3A_392 = vector.broadcast %add3A_391 : f32 to vector<256x1xf32>
    %add3A_393 = arith.addf %broadcast_in_dim3A_390, %add3A_392 : vector<256x1xf32>
    %sub3A_394 = vector.broadcast %add3A_393 : vector<256x1xf32> to vector<256x64xf32>
    %sub3A_395 = arith.subf %add3A_387, %sub3A_394 : vector<256x64xf32>
    %exp3A_396 = math.exp %sub3A_395 : vector<256x64xf32>
    %swap3A_397 = arith.constant 3840 : index
    %swap3A_398 = arith.constant 0 : index
    %swap3A_399 = vector.load %arg8[%swap3A_397, %swap3A_398] : memref<4096x64xf32, #tpu.memory_space<vmem>>, vector<256x64xf32>
    tpu.vector_store %arg8[%swap3A_397, %swap3A_398], %exp3A_396 {strides = array<i32>} : memref<4096x64xf32, #tpu.memory_space<vmem>>, vector<256x64xf32>,
    %swap3A_400 = arith.constant 3840 : index
    %swap3A_401 = arith.constant 0 : index
    %swap3A_402 = vector.load %arg9[%swap3A_400, %swap3A_401] : memref<4096x1xf32, #tpu.memory_space<vmem>>, vector<256x1xf32>
    tpu.vector_store %arg9[%swap3A_400, %swap3A_401], %add3A_393 {strides = array<i32>} : memref<4096x1xf32, #tpu.memory_space<vmem>>, vector<256x1xf32>,
    %get3A_403 = arith.constant 0 : index
    %get3A_404 = arith.constant 0 : index
    %get3A_405 = vector.load %arg0[%get3A_403, %get3A_404] : memref<4096x128xf32, #tpu.memory_space<vmem>>, vector<8x64xf32>
    %get3A_406 = arith.constant 0 : index
    %get3A_407 = arith.constant 0 : index
    %get3A_408 = vector.load %arg1[%get3A_406, %get3A_407] : memref<4096x128xf32, #tpu.memory_space<vmem>>, vector<8x64xf32>
    %add3A_409 = arith.addf %get3A_405, %get3A_408 : vector<8x64xf32>
    %get3A_410 = arith.constant 0 : index
    %get3A_411 = arith.constant 0 : index
    %get3A_412 = vector.load %arg5[%get3A_410, %get3A_411] : memref<8x64xf32, #tpu.memory_space<vmem>>, vector<8x64xf32>
    %add3A_413 = arith.addf %add3A_409, %get3A_412 : vector<8x64xf32>
    %get3A_414 = arith.constant 0 : index
    %get3A_415 = arith.constant 0 : index
    %get3A_416 = vector.load %arg3[%get3A_414, %get3A_415] : memref<8x64xf32, #tpu.memory_space<vmem>>, vector<8x64xf32>
    %add3A_417 = arith.addf %add3A_413, %get3A_416 : vector<8x64xf32>
    %reduce_max3A_418 = arith.constant dense<0xFF800000> : vector<8xf32>
    %reduce_max3A_419 = vector.multi_reduction <maximumf>, %add3A_417, %reduce_max3A_418 [1] : vector<8x64xf32> to vector<8xf32>
    %broadcast_in_dim3A_420 = vector.shape_cast %reduce_max3A_419 : vector<8xf32> to vector<8x1xf32>
    %sub3A_421 = vector.broadcast %broadcast_in_dim3A_420 : vector<8x1xf32> to vector<8x64xf32>
    %sub3A_422 = arith.subf %add3A_417, %sub3A_421 : vector<8x64xf32>
    %exp3A_423 = math.exp %sub3A_422 : vector<8x64xf32>
    %scan3A = arith.constant 1 : i32
    %scan3A_424 = arith.constant 510 : i32
    %scan3A_425 = arith.addi %scan3A, %scan3A_424 : i32
    %scan3A_426 = arith.constant 2 : i32
    %scan3A_427:2 = scf.for %scan3A_465 = %scan3A to %scan3A_425 step %scan3A_426 iter_args(%scan3A_466 = %exp3A_423, %scan3A_467 = %broadcast_in_dim3A_420) -> (vector<8x64xf32>, vector<8x1xf32>)  : i32 {
      %mul3A_468 = arith.constant 8 : i32
      %mul3A_469 = arith.muli %scan3A_465, %mul3A_468 : i32
      %reduce_max3A_470 = arith.constant dense<0xFF800000> : vector<8xf32>
      %reduce_max3A_471 = vector.multi_reduction <maximumf>, %scan3A_466, %reduce_max3A_470 [1] : vector<8x64xf32> to vector<8xf32>
      %broadcast_in_dim3A_472 = vector.shape_cast %reduce_max3A_471 : vector<8xf32> to vector<8x1xf32>
      %div3A_473 = arith.constant 1.000000e+00 : f32
      %div3A_474 = vector.broadcast %div3A_473 : f32 to vector<8x1xf32>
      %div3A_475 = arith.divf %div3A_474, %broadcast_in_dim3A_472 : vector<8x1xf32>
      %dot_general3A_476 = arith.constant dense<0.000000e+00> : vector<8x64xf32>
      %dot_general3A_477 = tpu.matmul %scan3A_466, %exp3A, %dot_general3A_476 {dimension_numbers = #tpu.dot_dimension_numbers<[1], [0], [0], [1], [0, 0, 1, 1], [], []>, transpose_lhs_hint = false} : vector<8x64xf32>, vector<64x64xf32>, vector<8x64xf32> -> vector<8x64xf32>
      %get3A_478 = arith.index_cast %mul3A_469 : i32 to index
      %get3A_479 = arith.constant 0 : index
      %get3A_480 = vector.load %arg8[%get3A_478, %get3A_479] : memref<4096x64xf32, #tpu.memory_space<vmem>>, vector<8x64xf32>
      %mul3A_481 = arith.mulf %get3A_480, %dot_general3A_477 : vector<8x64xf32>
      %mul3A_482 = vector.broadcast %div3A_475 : vector<8x1xf32> to vector<8x64xf32>
      %mul3A_483 = arith.mulf %mul3A_481, %mul3A_482 : vector<8x64xf32>
      %get3A_484 = arith.index_cast %mul3A_469 : i32 to index
      %get3A_485 = arith.constant 0 : index
      %get3A_486 = vector.load %arg9[%get3A_484, %get3A_485] : memref<4096x1xf32, #tpu.memory_space<vmem>>, vector<8x1xf32>
      %add3A_487 = arith.addf %scan3A_467, %get3A_486 : vector<8x1xf32>
      %log3A_488 = math.log %div3A_475 : vector<8x1xf32>
      %sub3A_489 = arith.subf %add3A_487, %log3A_488 : vector<8x1xf32>
      %convert_element_type3A_490 = arith.sitofp %scan3A_465 : i32 to f32
      %gt3A_491 = vector.broadcast %convert_element_type3A_490 : f32 to vector<8x1xf32>
      %gt3A_492 = arith.cmpf ogt, %get3A_4, %gt3A_491 : vector<8x1xf32>
      %broadcast_in_dim3A_493 = vector.shape_cast %gt3A_492 : vector<8x1xi1> to vector<8x1xi1>
      %broadcast_in_dim3A_494 = vector.broadcast %broadcast_in_dim3A_493 : vector<8x1xi1> to vector<8x64xi1>
      %select_n3A_495 = arith.select %broadcast_in_dim3A_494, %mul3A_483, %scan3A_466 : vector<8x64xi1>, vector<8x64xf32>
      %select_n3A_496 = arith.select %gt3A_492, %sub3A_489, %scan3A_467 : vector<8x1xi1>, vector<8x1xf32>
      %scan3A_497 = arith.constant 1 : i32
      %scan3A_498 = arith.addi %scan3A_465, %scan3A_497 : i32
      %mul3A_499 = arith.constant 8 : i32
      %mul3A_500 = arith.muli %scan3A_498, %mul3A_499 : i32
      %reduce_max3A_501 = arith.constant dense<0xFF800000> : vector<8xf32>
      %reduce_max3A_502 = vector.multi_reduction <maximumf>, %select_n3A_495, %reduce_max3A_501 [1] : vector<8x64xf32> to vector<8xf32>
      %broadcast_in_dim3A_503 = vector.shape_cast %reduce_max3A_502 : vector<8xf32> to vector<8x1xf32>
      %div3A_504 = arith.constant 1.000000e+00 : f32
      %div3A_505 = vector.broadcast %div3A_504 : f32 to vector<8x1xf32>
      %div3A_506 = arith.divf %div3A_505, %broadcast_in_dim3A_503 : vector<8x1xf32>
      %dot_general3A_507 = arith.constant dense<0.000000e+00> : vector<8x64xf32>
      %dot_general3A_508 = tpu.matmul %select_n3A_495, %exp3A, %dot_general3A_507 {dimension_numbers = #tpu.dot_dimension_numbers<[1], [0], [0], [1], [0, 0, 1, 1], [], []>, transpose_lhs_hint = false} : vector<8x64xf32>, vector<64x64xf32>, vector<8x64xf32> -> vector<8x64xf32>
      %get3A_509 = arith.index_cast %mul3A_500 : i32 to index
      %get3A_510 = arith.constant 0 : index
      %get3A_511 = vector.load %arg8[%get3A_509, %get3A_510] : memref<4096x64xf32, #tpu.memory_space<vmem>>, vector<8x64xf32>
      %mul3A_512 = arith.mulf %get3A_511, %dot_general3A_508 : vector<8x64xf32>
      %mul3A_513 = vector.broadcast %div3A_506 : vector<8x1xf32> to vector<8x64xf32>
      %mul3A_514 = arith.mulf %mul3A_512, %mul3A_513 : vector<8x64xf32>
      %get3A_515 = arith.index_cast %mul3A_500 : i32 to index
      %get3A_516 = arith.constant 0 : index
      %get3A_517 = vector.load %arg9[%get3A_515, %get3A_516] : memref<4096x1xf32, #tpu.memory_space<vmem>>, vector<8x1xf32>
      %add3A_518 = arith.addf %select_n3A_496, %get3A_517 : vector<8x1xf32>
      %log3A_519 = math.log %div3A_506 : vector<8x1xf32>
      %sub3A_520 = arith.subf %add3A_518, %log3A_519 : vector<8x1xf32>
      %convert_element_type3A_521 = arith.sitofp %scan3A_498 : i32 to f32
      %gt3A_522 = vector.broadcast %convert_element_type3A_521 : f32 to vector<8x1xf32>
      %gt3A_523 = arith.cmpf ogt, %get3A_4, %gt3A_522 : vector<8x1xf32>
      %broadcast_in_dim3A_524 = vector.shape_cast %gt3A_523 : vector<8x1xi1> to vector<8x1xi1>
      %broadcast_in_dim3A_525 = vector.broadcast %broadcast_in_dim3A_524 : vector<8x1xi1> to vector<8x64xi1>
      %select_n3A_526 = arith.select %broadcast_in_dim3A_525, %mul3A_514, %select_n3A_495 : vector<8x64xi1>, vector<8x64xf32>
      %select_n3A_527 = arith.select %gt3A_523, %sub3A_520, %select_n3A_496 : vector<8x1xi1>, vector<8x1xf32>
      scf.yield %select_n3A_526, %select_n3A_527 : vector<8x64xf32>, vector<8x1xf32>
    }
    %scan3A_428 = arith.constant 510 : i32
    %scan3A_429 = arith.addi %scan3A, %scan3A_428 : i32
    %mul3A = arith.constant 8 : i32
    %mul3A_430 = arith.muli %scan3A_429, %mul3A : i32
    %reduce_max3A_431 = arith.constant dense<0xFF800000> : vector<8xf32>
    %reduce_max3A_432 = vector.multi_reduction <maximumf>, %scan3A_427#0, %reduce_max3A_431 [1] : vector<8x64xf32> to vector<8xf32>
    %broadcast_in_dim3A_433 = vector.shape_cast %reduce_max3A_432 : vector<8xf32> to vector<8x1xf32>
    %div3A = arith.constant 1.000000e+00 : f32
    %div3A_434 = vector.broadcast %div3A : f32 to vector<8x1xf32>
    %div3A_435 = arith.divf %div3A_434, %broadcast_in_dim3A_433 : vector<8x1xf32>
    %dot_general3A = arith.constant dense<0.000000e+00> : vector<8x64xf32>
    %dot_general3A_436 = tpu.matmul %scan3A_427#0, %exp3A, %dot_general3A {dimension_numbers = #tpu.dot_dimension_numbers<[1], [0], [0], [1], [0, 0, 1, 1], [], []>, transpose_lhs_hint = false} : vector<8x64xf32>, vector<64x64xf32>, vector<8x64xf32> -> vector<8x64xf32>
    %get3A_437 = arith.index_cast %mul3A_430 : i32 to index
    %get3A_438 = arith.constant 0 : index
    %get3A_439 = vector.load %arg8[%get3A_437, %get3A_438] : memref<4096x64xf32, #tpu.memory_space<vmem>>, vector<8x64xf32>
    %mul3A_440 = arith.mulf %get3A_439, %dot_general3A_436 : vector<8x64xf32>
    %mul3A_441 = vector.broadcast %div3A_435 : vector<8x1xf32> to vector<8x64xf32>
    %mul3A_442 = arith.mulf %mul3A_440, %mul3A_441 : vector<8x64xf32>
    %get3A_443 = arith.index_cast %mul3A_430 : i32 to index
    %get3A_444 = arith.constant 0 : index
    %get3A_445 = vector.load %arg9[%get3A_443, %get3A_444] : memref<4096x1xf32, #tpu.memory_space<vmem>>, vector<8x1xf32>
    %add3A_446 = arith.addf %scan3A_427#1, %get3A_445 : vector<8x1xf32>
    %log3A = math.log %div3A_435 : vector<8x1xf32>
    %sub3A_447 = arith.subf %add3A_446, %log3A : vector<8x1xf32>
    %convert_element_type3A = arith.sitofp %scan3A_429 : i32 to f32
    %gt3A = vector.broadcast %convert_element_type3A : f32 to vector<8x1xf32>
    %gt3A_448 = arith.cmpf ogt, %get3A_4, %gt3A : vector<8x1xf32>
    %broadcast_in_dim3A_449 = vector.shape_cast %gt3A_448 : vector<8x1xi1> to vector<8x1xi1>
    %broadcast_in_dim3A_450 = vector.broadcast %broadcast_in_dim3A_449 : vector<8x1xi1> to vector<8x64xi1>
    %select_n3A = arith.select %broadcast_in_dim3A_450, %mul3A_442, %scan3A_427#0 : vector<8x64xi1>, vector<8x64xf32>
    %select_n3A_451 = arith.select %gt3A_448, %sub3A_447, %scan3A_427#1 : vector<8x1xi1>, vector<8x1xf32>
    %scan3A_452 = arith.constant 511 : i32
    %get3A_453 = arith.constant 0 : index
    %get3A_454 = arith.constant 0 : index
    %get3A_455 = vector.load %arg4[%get3A_453, %get3A_454] : memref<8x64xf32, #tpu.memory_space<vmem>>, vector<8x64xf32>
    %exp3A_456 = math.exp %get3A_455 : vector<8x64xf32>
    %mul3A_457 = arith.mulf %select_n3A, %exp3A_456 : vector<8x64xf32>
    %reduce_sum3A = arith.constant dense<0.000000e+00> : vector<8xf32>
    %reduce_sum3A_458 = vector.multi_reduction <add>, %mul3A_457, %reduce_sum3A [1] : vector<8x64xf32> to vector<8xf32>
    %broadcast_in_dim3A_459 = vector.shape_cast %reduce_sum3A_458 : vector<8xf32> to vector<8x1xf32>
    %log3A_460 = math.log %broadcast_in_dim3A_459 : vector<8x1xf32>
    %add3A_461 = arith.addf %log3A_460, %select_n3A_451 : vector<8x1xf32>
    %swap3A_462 = arith.constant 0 : index
    %swap3A_463 = arith.constant 0 : index
    %swap3A_464 = vector.load %arg7[%swap3A_462, %swap3A_463] : memref<8x1xf32, #tpu.memory_space<vmem>>, vector<8x1xf32>
    tpu.vector_store %arg7[%swap3A_462, %swap3A_463], %add3A_461 {strides = array<i32>} : memref<8x1xf32, #tpu.memory_space<vmem>>, vector<8x1xf32>,
    return
  }
}

</mosaic_0001>

<sc_bundles>
// kernel: gather_offload_async_start
scs
__scs_entry_jumppad:
0x0: {  	(pc) =	sbr.rel $0x88, $3  }
0x1: {  	(tag) =	ssettag $0x0;
	lr =	simm.s32 $0x1  }
0x2: {  	[smem:$0x3F93] =	sst lr;
	_ =	strace $0xD0000000  }
0x3: {  	_ = 	snop  }
0x4: {  	_ = 	snop  }
0x5: {  	_ = 	snop  }
0x6: {  	_ = 	snop  }
0x7: {  	_ = 	snop  }
__scs_overlays_trampoline_lowered:
0x8: {  	[smem:$0x3FA2] =	sst s0  }
0x9: {  	[smem:$0x3FA3] =	sst s1  }
0xa: {  	[smem:$0x3FA4] =	sst s2  }
0xb: {  	[smem:$0x3FA5] =	sst s3  }
0xc: {  	[smem:$0x3FA6] =	sst s4  }
0xd: {  	[smem:$0x3FA7] =	sst s5  }
0xe: {  	[smem:$0x3FA8] =	sst s6  }
0xf: {  	[smem:$0x3FA9] =	sst s7  }
0x10: {  	[smem:$0x3FAA] =	sst s8  }
0x11: {  	[smem:$0x3FAB] =	sst s9;
	s0 =	simm.s32 @!p0 $0x0  }
0x12: {  	s1 =	sld [smem:$0x3F91];
	s0 =	simm.s32 @p0 $0x1  }
0x13: {  	[smem:$0x3FAC] =	sst s0;
	s0 =	simm.s32 @!p1 $0x0  }
0x14: {  	s2 =	sld [smem:$0x3F90];
	s0 =	simm.s32 @p1 $0x1  }
0x15: {  	[smem:$0x3FAD] =	sst s0;
	s0 =	simm.s32 @!p2 $0x0  }
0x16: {  	s3 =	sld [smem:$0x3FDB];
	s0 =	simm.s32 @p2 $0x1  }
0x17: {  	s4 =	simm.s32 $0x1BF5;
	[smem:$0x3FAF] =	sst s0  }
0x18: {  	s0 =	sld [smem:$0x3F92];
	_ =	swait.ge [sflag:s4], $0x0  }
0x19: {  	s7 =	sld [smem:$0x3F93]  }
0x1a: {  	s8 =	sadd.s32 $0xFFFFE003, lr  }
0x1b: {  	s9 =	sadd.s32 $0xFFFFFEF7, lr;
	s5 =	simm.s32 $0xFFFFFFFF;
	p2 =	slt.u32 s8, $0xFFFFF086  }
0x1c: {  	p1 =	slt.u32 s9, $0xF7A;
	s5 =	simm.s32 @!p2 $0x0  }
0x1d: {  	s5 =	simm.s32 @p1 $0x1;
	p0 =	seq.s32 s7, s2  }
0x1e: {  	s7 =	smul.u32 @!p0 $0xF7A, s2;
	p2 =	seq.s32 @!p0 s5, $0x0  }
0x1f: {  	s9 =	smul.u32 $0xF7A, s1;
	s8 =	simm.s32 @!p0 $0x1BF5;
	p2 =	por !p2, p0  }
0x20: {  	[sflag:s8] =	ssyncset.s32 @!p0 $0xFFFFF086;
	s6 =	sadd.s32 @!p0 s3, s7;
	s7 =	simm.s32 @!p0 $0x108  }
0x21: {  	s3 =	sadd.s32 s3, s9;
	s6 =	sadd.s32 @!p0 $0x88, s6;
	s7 =	simm.s32 @p2 $0x1082  }
0x22: {  	[simem:s7], [sflag:s8] =	dma.local @!p0 [hbm:s6], $0xF7A  }
0x23: {  	s9 =	sor.u32 $0xD0000000, s2;
	s6 =	simm.s32 $0x108;
	_ =	swait.ge @!p0 [sflag:s8], $0x0  }
0x24: {  	s3 =	sadd.s32 $0x88, s3;
	s6 =	simm.s32 @!p1 $0x1082;
	[sflag:s4] =	ssyncset.s32 $0xFFFFF086  }
0x25: {  	[simem:s6], [sflag:s4] =	dma.local [hbm:s3], $0xF7A  }
0x26: {  	[smem:$0x3F93] =	sst s1;
	(tag) =	ssettag s2;
	_ =	strace s9  }
0x27: {  	s1 =	sld [smem:$0x3FA3]  }
0x28: {  	s2 =	sld [smem:$0x3FA4]  }
0x29: {  	s4 =	sld [smem:$0x3FA6]  }
0x2a: {  	p0 =	seq.s32 s5, $0x0;
	s5 =	sld [smem:$0x3FA7]  }
0x2b: {  	s6 =	sld [smem:$0x3FA8]  }
0x2c: {  	s7 =	sld [smem:$0x3FA9]  }
0x2d: {  	s3 =	simm.s32 $0x108;
	s8 =	sld [smem:$0x3FAA]  }
0x2e: {  	s3 =	simm.s32 @!p0 $0x1082;
	s9 =	sld [smem:$0x3FAB]  }
0x2f: {  	lr =	sadd.s32 s0, s3;
	s0 =	sld [smem:$0x3FA2]  }
0x30: {  	s3 =	sld [smem:$0x3FA5]  }
0x31: {  	[smem:$0x3FAE] =	sst s10  }
0x32: {  	s10 =	sld [smem:$0x3FAC];
	_ =	sdelay $0x3  }
0x33: {  	p0 =	seq.s32 s10, $0x1;
	s10 =	sld [smem:$0x3FAE];
	_ =	sdelay $0x3  }
0x34: {  	[smem:$0x3FAE] =	sst s10  }
0x35: {  	s10 =	sld [smem:$0x3FAD];
	_ =	sdelay $0x3  }
0x36: {  	p1 =	seq.s32 s10, $0x1;
	s10 =	sld [smem:$0x3FAE];
	_ =	sdelay $0x3  }
0x37: {  	[smem:$0x3FAE] =	sst s10  }
0x38: {  	s10 =	sld [smem:$0x3FAF]  }
0x39: {  	_ = 	snop;
	(pc) =	sbr.ind lr, $3  }
0x3a: {  	_ = 	snop  }
0x3b: {  	_ = 	snop  }
0x3c: {  	p2 =	seq.s32 s10, $0x1;
	s10 =	sld [smem:$0x3FAE]  }
0x3d: {  	_ =	shalt  }
0x3e: {  	_ =	shalt  }
0x3f: {  	_ =	shalt  }
0x40: {  	_ =	shalt  }
0x41: {  	_ =	shalt  }
0x42: {  	_ =	shalt  }
0x43: {  	_ =	shalt  }
0x44: {  	_ =	shalt  }
0x45: {  	_ =	shalt  }
0x46: {  	_ =	shalt  }
0x47: {  	_ =	shalt  }
0x48: {  	_ =	shalt  }
0x49: {  	_ =	shalt  }
0x4a: {  	_ =	shalt  }
0x4b: {  	_ =	shalt  }
0x4c: {  	_ =	shalt  }
0x4d: {  	_ =	shalt  }
0x4e: {  	_ =	shalt  }
0x4f: {  	_ =	shalt  }
0x50: {  	_ =	shalt  }
0x51: {  	_ =	shalt  }
0x52: {  	_ =	shalt  }
0x53: {  	_ =	shalt  }
0x54: {  	_ =	shalt  }
0x55: {  	_ =	shalt  }
0x56: {  	_ =	shalt  }
0x57: {  	_ =	shalt  }
0x58: {  	_ =	shalt  }
0x59: {  	_ =	shalt  }
0x5a: {  	_ =	shalt  }
0x5b: {  	_ =	shalt  }
0x5c: {  	_ =	shalt  }
0x5d: {  	_ =	shalt  }
0x5e: {  	_ =	shalt  }
0x5f: {  	_ =	shalt  }
0x60: {  	_ =	shalt  }
0x61: {  	_ =	shalt  }
0x62: {  	_ =	shalt  }
0x63: {  	_ =	shalt  }
0x64: {  	_ =	shalt  }
0x65: {  	_ =	shalt  }
0x66: {  	_ =	shalt  }
0x67: {  	_ =	shalt  }
0x68: {  	_ =	shalt  }
0x69: {  	_ =	shalt  }
0x6a: {  	_ =	shalt  }
0x6b: {  	_ =	shalt  }
0x6c: {  	_ =	shalt  }
0x6d: {  	_ =	shalt  }
0x6e: {  	_ =	shalt  }
0x6f: {  	_ =	shalt  }
0x70: {  	_ =	shalt  }
0x71: {  	_ =	shalt  }
0x72: {  	_ =	shalt  }
0x73: {  	_ =	shalt  }
0x74: {  	_ =	shalt  }
0x75: {  	_ =	shalt  }
0x76: {  	_ =	shalt  }
0x77: {  	_ =	shalt  }
0x78: {  	_ =	shalt  }
0x79: {  	_ =	shalt  }
0x7a: {  	_ =	shalt  }
0x7b: {  	_ =	shalt  }
0x7c: {  	_ =	shalt  }
0x7d: {  	_ =	shalt  }
0x7e: {  	_ =	shalt  }
0x7f: {  	_ =	shalt  }
0x80: {  	_ =	shalt  }
0x81: {  	_ =	shalt  }
0x82: {  	_ =	shalt  }
0x83: {  	_ =	shalt  }
0x84: {  	_ =	shalt  }
0x85: {  	_ =	shalt  }
0x86: {  	_ =	shalt  }
0x87: {  	_ =	shalt  }
.Lfunc_end0:
.L_simem_size_0:
called_computation_lowered:
.L_overlay_start_0:
0x88: {  	s2 =	sld [smem:$0x3FD9]  }
0x89: {  	s3 =	sld [smem:$0x3FFE];
	_ =	sdelay $0x1  }
0x8a: {  	s1 =	srdreg.scid  }
0x8b: {  	s0 =	sand.u32 $0x1, s1  }
0x8c: {  	s17 =	sshll.u32 s0, $0xA;
	s2 =	sadd.s32 s3, s2  }
0x8d: {  	s2 =	sadd.s32 s2, s17  }
0x8e: {  	[smem:$0x3FBA] =	sst s2  }
0x8f: {  	_ = 	snop  }
0x90: {  	s2 =	sld [smem:$0x3FC9];
	(tm) =	ssettm $0x1  }
0x91: {  	s18 =	sld [smem:$0x3FFB];
	_ =	sdelay $0x3  }
0x92: {  	_ =	strace s18  }
0x93: {  	s3 =	sld [smem:$0x3FFC];
	_ =	sdelay $0x3  }
0x94: {  	_ =	strace s3  }
0x95: {  	s3 =	sld [smem:$0x3FFD];
	_ =	sdelay $0x3  }
0x96: {  	_ =	strace s3  }
0x97: {  	_ =	strace $0x8FFFFFFF  }
0x98: {  	s19 =	sld [smem:$0x3FDB];
	_ =	sdelay $0x1  }
0x99: {  	s4 =	simm.s32 $_scs_section_size  }
0x9a: {  	s5 =	simm.s32 $_size__tile_overlayer_lowered;
	s6 =	simm.s32 $_tile_overlayer_lowered  }
0x9b: {  	s22 =	simm.s32 $0x1BFF;
	s21 =	sshll.u32 s6, $0x1;
	s3 =	sadd.s32 s4, s19  }
0x9c: {  	s7 =	simm.s32 $0x0;
	s20 =	sshll.u32 s5, $0x1;
	s5 =	sadd.s32 s21, s3  }
0x9d: {  	[timem:s7], [sflag:s22] =	dma.local [hbm:s5], s20  }
0x9e: {  	_ =	swait.ge [sflag:s22], s20  }
0x9f: {  	s4 =	ssub.s32 $0x0, s20;
	[sflag:s22] =	ssyncset.done $0x0  }
0xa0: {  	[sflag:s22] =	ssyncadd.s32 s4;
	_ =	sdelay $0x1  }
0xa1: {  	s23 =	simm.s32 $0x1B8B  }
0xa2: {  	_ =	swait.ge [sflag:s23], $0x1  }
0xa3: {  	[sflag:s23] =	ssyncset.done $0x0  }
0xa4: {  	s25 =	simm.s32 $0x1B8E;
	s24 =	sld [smem:$0x3FFE];
	[sflag:s23] =	ssyncadd.s32 $0xFFFFFFFF  }
0xa5: {  	s26 =	simm.s32 $execute0_lowered;
	[smem:$0x3FD2] =	sst s25  }
0xa6: {  	s5 =	sshll.u32 s26, $0x1;
	_ =	strace $0x80000046;
	[dreg:$0x1] =	wrdreg $0xFFFFFFFF  }
0xa7: {  	s28 =	simm.s32 $_size_execute0_lowered;
	s3 =	sadd.s32 s3, s5;
	[dreg:$0x0] =	wrdreg $0x0  }
0xa8: {  	s5 =	sshll.u32 s28, $0x1;
	[dreg:$0x2] =	wrdreg s3  }
0xa9: {  	[dreg:$0x3] =	wrdreg s5  }
0xaa: {  	[dreg:$0x4] =	wrdreg $0xC0  }
0xab: {  	_ =	task [dreg:s7], $0x5FFFF  }
0xac: {  	[dreg:$0x1] =	wrdreg $0xFFFFFFFF  }
0xad: {  	[dreg:$0x0] =	wrdreg $0x60  }
0xae: {  	[dreg:$0x2] =	wrdreg s2  }
0xaf: {  	[dreg:$0x3] =	wrdreg s24  }
0xb0: {  	[dreg:$0x4] =	wrdreg $0x9  }
0xb1: {  	_ =	task.clear_ibuf [dreg:s7], $0x5FFFF;
	_ =	strace $0x90000046  }
0xb2: {  	s29 =	simm.s32 $0x9;
	_ =	strace $0x80000048  }
0xb3: {  	_ =	swait.ge [sflag:s29], $0x1  }
0xb4: {  	[sflag:s29] =	ssyncadd.s32 $0xFFFFFFFF  }
0xb5: {  	_ =	strace $0x90000048  }
0xb6: {  	_ =	sfence  }
0xb7: {  	s30 =	sld [smem:$0x0];
	_ =	sdelay $0x2  }
0xb8: {  	s31 =	sshll.u32 s1, $0xD;
	s1 =	sshrl.u32 s1, $0x2  }
0xb9: {  	s3 =	sand.u32 $0x4000, s31;
	s1 =	sadd.s32 s1, s30  }
0xba: {  	s0 =	sor.u32 s3, s0;
	s1 =	sshll.u32 s1, $0x11  }
0xbb: {  	s0 =	sor.u32 s1, s0  }
0xbc: {  	s0 =	sadd.s32 $0x8F2B, s0  }
0xbd: {  	[sflag:s0] =	ssyncadd.remote.s32 $0x1  }
0xbe: {  	_ =	sfence.sel $0xFFFF  }
0xbf: {  	[dreg:$0x0] =	wrdreg $0xFFFFFFFF;
	(pc) =	sbr.abs _section_cstart, $3  }
0xc0: {  	[dreg:$0x1] =	wrdreg $0xFFFFFFFF  }
0xc1: {  	_ =	task.clear_ibuf [dreg:s7], $0x2FFFF;
	_ =	strace $0x9FFFFFFF  }
0xc2: {  	(tm) =	ssettm $0x7FFFFFFF  }
0xc3: {  	_ =	shalt  }
tec
execute0_lowered:
.L_overlay_start_1:
0x0: {  	(tag) =	ssettag $0x1  }
0x1: {  	s1 =	srdreg.scid;
	s2 =	rddreg [dreg:$0x0]  }
0x2: {  	s0 =	stileid.u32;
	s5 =	rddreg [dreg:$0x1];
	s6 =	simm.s32 $0x1  }
0x3: {  	s9 =	simm.s32 $0x1;
	s10 =	simm.s32 $0x3;
	s1 =	sshll.u32 s1, $0x6  }
0x4: {  	s13 =	simm.s32 $0x0;
	s3 =	sshll.u32 s0, $0x7;
	s4 =	sand.u32 $0x40, s1  }
0x5: {  	s12 =	simm.s32 $0x0;
	s1 =	rddreg [dreg:$0x2];
	s3 =	sor.u32 s3, s4  }
0x6: {  	_ =	strace $0x80000047;
	s4 =	sadd.s32 $0x2C00, s5;
	s8 =	ssub.s32 $0x1000, s3  }
.Ltmp0:
0x7: {  	s5 =	sadd.s32 $0x2E00, s5;
	s7 =	sand.u32 $0x7C0, s8;
	(pc) =	sbr.rel .LBB2_1-.Ltmp0, $4  }
0x8: {  	[sflag:s6] =	ssyncpa.u1 $0x0;
	s11 =	smov.u32 s3;
	p0 =	sne.s32 s7, $0x0  }
0x9: {  	s8 =	sshrl.u32 s8, $0xB;
	s7 =	simm.s32 $0x2;
	s9 =	simm.s32 @!p0 $0x0  }
0xa: {  	[sflag:s7] =	ssyncpa.u1 $0x0;
	p0 =	por $0x0, $0x0;
	s8 =	sadd.s32 s9, s8  }
0xb: {  	vm0 =	vmmov $0xffff;
	[sflag:s10] =	ssyncpa.u1 $0x0;
	s10 =	simm.s32 $0x0;
	s9 =	sadd.s32 $0x1, s8  }
.LBB2_4:
0xc: {  	vm1 =	veq.s32 v1, $0x80000000;
	v2 =	vand.u32 $0x1FF, v2  }
0xd: {  	v63 =	vand.u32 $0x7, v1;
	v2 =	vsel vm1, $0xFFFFFFFF, v2  }
0xe: {  	v1 =	vsel vm1, $0xFFFFFFFF, v63;
	v3 =	vshll.u32 v2, $0x3  }
0xf: {  	v4 =	vand.u32 $0xFFFFF000, v1;
	v1 =	vshll.u32 v1, $0x7;
	v3 =	vand.u32 $0xFFFFFC00, v3  }
0x10: {  	v1 =	vand.u32 $0x380, v1;
	v3 =	vadd.s32 v4, v3  }
0x11: {  	v2 =	vand.u32 $0x7F, v2;
	v1 =	vor.u32 v1, v3  }
0x12: {  	v1 =	vor.u32 v2, v1;
	_ =	sdelay $0x1  }
0x13: {  	(ifvalue) =	ssetifvalue $0x7FFFFFFF;
	s14 =	sadd.s32 $0x10, s14  }
0x14: {  	[tilespmem:s14], [sflag:$0x1] =	stream.indirect_vreg.gather [hbm4b:s2+s10], $0x1, v0, vm0, $0x4038;
	[tilespmem:$0x100] =	vst v63  }
0x15: {  	(ifvalue) =	ssetifvalue $0x7FFFFFFF;
	s14 =	sadd.s32 $0x10, s14  }
0x16: {  	[tilespmem:s14], [sflag:$0x1] =	stream.indirect_vreg.gather [hbm4b:s2+s10], $0x1, v1, vm0, $0x4038;
	[tilespmem:$0x100] =	vst v63  }
0x17: {  	_ =	swait.ge [sflag:s6], $0x40  }
0x18: {  	s30 =	sshrl.u32 s13, $0x3;
	[sflag:s6] =	ssyncset.done $0x0  }
0x19: {  	s31 =	sand.u32 $0x7, s13;
	s14 =	sadd.s32 s5, s30;
	[sflag:s6] =	ssyncadd.s32 $0xFFFFFFC0  }
0x1a: {  	[hbm4b:s14+s31] =	stream.linear.scatter [tilespmem:s15], [sflag:$0x3], $0x40, $0x38;
	[tilespmem:$0x100] =	vst v63  }
.LBB2_5:
0x1b: {  	s15 =	sadd.s32 $0x800, s11  }
0x1c: {  	p2 =	sgt.s32 s15, $0xFFF  }
0x1d: {  	s15 =	smov.u32 @p2 s3;
	p2 =	sne.s32 s12, s9  }
.Ltmp1:
0x1e: {  	p1 =	slt.u32 s12, $0x2;
	(pc) =	sbr.rel @!p2 .LBB2_6-.Ltmp1, $4  }
0x1f: {  	s14 =	simm.s32 @!p1 $0x3  }
0x20: {  	s16 =	sadd.s32 $0x1, s12;
	_ =	swait.ge @!p1 [sflag:s14], $0x40  }
0x21: {  	s13 =	smov.u32 s11;
	p0 =	por !p0, !p0;
	[sflag:s14] =	ssyncset.done @!p1 $0x0  }
0x22: {  	s12 =	smov.u32 s16;
	s11 =	smov.u32 s15;
	[sflag:s14] =	ssyncadd.s32 @!p1 $0xFFFFFFC0  }
.LBB2_1:
0x23: {  	p1 =	sge.u32 s12, s8  }
0x24: {  	s14 =	sxor.u32 @!p1 $0xFFFFFFFF, s12  }
0x25: {  	s31 =	sadd.s32 $0xFFFFFFFF, s12;
	s15 =	sshrl.u32 @!p1 s11, $0x3;
	s14 =	sshll.u32 @!p1 s14, $0x6  }
0x26: {  	s16 =	sand.u32 @!p1 $0x7, s11;
	s15 =	sadd.s32 @!p1 s4, s15;
	s14 =	sand.u32 @!p1 $0x40, s14  }
0x27: {  	[tilespmem:s14], [sflag:$0x2] =	stream.linear.gather @!p1 [hbm4b:s15+s16], $0x40, $0x38;
	[tilespmem:$0x100] =	vst v63  }
0x28: {  	p1 =	sge.u32 s31, s8  }
.Ltmp2:
0x29: {  	_ = 	snop;
	(pc) =	sbr.rel @p1 .LBB2_5-.Ltmp2, $1  }
0x2a: {  	_ =	sdelay $0x3  }
0x2b: {  	s14 =	simm.s32 $0x1  }
0x2c: {  	_ =	swait.ge [sflag:s7], $0x40;
	s14 =	simm.s32 @!p0 $0x0  }
0x2d: {  	[sflag:s7] =	ssyncset.done $0x0;
	s14 =	sshll.u32 s14, $0x6  }
0x2e: {  	[sflag:s7] =	ssyncadd.s32 $0xFFFFFFC0;
	(ifvalue) =	ssetifvalue $0x7FFFFFFF;
	v0 =	vld.msk [tilespmem:s14+$0x0 ss:$0x1], $0xffff;
	_ =	sdelay $0x4  }
0x2f: {  	s15 =	sadd.s32 $0x10, s14;
	v1 =	vshrl.u32 v0, $0x3  }
0x30: {  	v2 =	vld.msk [tilespmem:s15+$0x0 ss:$0x1], $0xffff;
	vm1 =	veq.s32 v0, $0x80000000;
	v1 =	vand.u32 $0x1FF, v1  }
0x31: {  	v0 =	vand.u32 $0x7, v0;
	v1 =	vsel vm1, $0xFFFFFFFF, v1  }
0x32: {  	v0 =	vsel vm1, $0xFFFFFFFF, v0;
	v3 =	vshll.u32 v1, $0x3  }
0x33: {  	v4 =	vand.u32 $0xFFFFF000, v0;
	v0 =	vshll.u32 v0, $0x7;
	v3 =	vand.u32 $0xFFFFFC00, v3  }
0x34: {  	v0 =	vand.u32 $0x380, v0;
	v3 =	vadd.s32 v4, v3  }
0x35: {  	v1 =	vand.u32 $0x7F, v1;
	v0 =	vor.u32 v0, v3;
	v3 =	vshrl.u32 v2, $0x3  }
0x36: {  	s17 =	sadd.s32 $0x10, s15;
	vm1 =	veq.s32 v2, $0x80000000;
	v0 =	vor.u32 v1, v0;
	v3 =	vand.u32 $0x1FF, v3  }
0x37: {  	v2 =	vand.u32 $0x7, v2;
	v1 =	vld.msk [tilespmem:s17+$0x0 ss:$0x1], $0xffff;
	v3 =	vsel vm1, $0xFFFFFFFF, v3  }
0x38: {  	v2 =	vsel vm1, $0xFFFFFFFF, v2;
	v63 =	vshll.u32 v3, $0x3  }
0x39: {  	s31 =	sshll.u32 s12, $0x6;
	v5 =	vand.u32 $0xFFFFF000, v2;
	v2 =	vshll.u32 v2, $0x7;
	v4 =	vand.u32 $0xFFFFFC00, v63  }
0x3a: {  	s14 =	sor.u32 $0x80, s14;
	s15 =	sand.u32 $0x40, s31;
	(ifvalue) =	ssetifvalue $0x7FFFFFFF;
	v2 =	vand.u32 $0x380, v2;
	v4 =	vadd.s32 v5, v4  }
0x3b: {  	[tilespmem:s14], [sflag:$0x1] =	stream.indirect_vreg.gather [hbm4b:s2+s10], $0x1, v0, vm0, $0x4038;
	v0 =	vand.u32 $0x7F, v3;
	v3 =	vor.u32 v2, v4;
	[tilespmem:$0x100] =	vst v63  }
0x3c: {  	s16 =	simm.s32 $0x20;
	s15 =	sor.u32 $0x80, s15;
	s17 =	sadd.s32 $0x10, s17;
	v2 =	vshrl.u32 v1, $0x3;
	v0 =	vor.u32 v0, v3  }
.LBB2_3:
0x3d: {  	v3 =	vld.msk [tilespmem:s17+$0x0 ss:$0x1], $0xffff;
	s16 =	sadd.s32 $0x10, s16;
	vm1 =	veq.s32 v1, $0x80000000;
	v2 =	vand.u32 $0x1FF, v2  }
0x3e: {  	v1 =	vand.u32 $0x7, v1;
	p1 =	slt.u32 s16, $0x30;
	v2 =	vsel vm1, $0xFFFFFFFF, v2  }
.Ltmp3:
0x3f: {  	v1 =	vsel vm1, $0xFFFFFFFF, v1;
	v4 =	vshll.u32 v2, $0x3;
	(pc) =	sbr.rel @p1 .LBB2_3-.Ltmp3, $4  }
0x40: {  	s14 =	sadd.s32 $0x10, s14;
	v5 =	vand.u32 $0xFFFFF000, v1;
	v1 =	vshll.u32 v1, $0x7;
	v4 =	vand.u32 $0xFFFFFC00, v4;
	(ifvalue) =	ssetifvalue $0x7FFFFFFF  }
0x41: {  	v4 =	vadd.s32 v5, v4;
	v5 =	vand.u32 $0x380, v1;
	[tilespmem:s14], [sflag:$0x1] =	stream.indirect_vreg.gather [hbm4b:s2+s10], $0x1, v0, vm0, $0x4038;
	[tilespmem:$0x100] =	vst v63  }
0x42: {  	v0 =	vand.u32 $0x7F, v2;
	v4 =	vor.u32 v5, v4  }
0x43: {  	s17 =	sadd.s32 $0x10, s17;
	v2 =	vshrl.u32 v3, $0x3;
	v1 =	vmov v3;
	v0 =	vor.u32 v0, v4  }
.Ltmp4:
0x44: {  	_ = 	snop;
	(pc) =	sbr.rel .LBB2_4-.Ltmp4, $1  }
0x45: {  	_ =	sdelay $0x3  }
.LBB2_6:
0x46: {  	_ =	sfence.sel $0x180000  }
0x47: {  	s2 =	simm.s32 $0x2;
	[bflag:$0x0] =	sbarrier.arrive $0xFFFF  }
0x48: {  	s30 =	simm.s32 $0x3;
	[sflag:s2] =	ssyncpa.u1 $0x1  }
0x49: {  	s31 =	simm.s32 $0x1;
	[sflag:s30] =	ssyncpa.u1 $0x1  }
0x4a: {  	[sflag:s31] =	ssyncpa.u1 $0x1  }
0x4b: {  	p0 =	sne.s32 s0, $0x0;
	_ =	strace $0x90000047  }
0x4c: {  	s0 =	sadd.s32 @!p0 $0x100000, s1;
	[bflag:$0x2] =	sbarrier.arrive $0xFFFF  }
0x4d: {  	[sflag:s0] =	ssyncadd.tile.s32 @!p0 $0x1;
	_ =	shalt  }
.Lfunc_end2:
_tile_overlayer_lowered:
.L_overlay_start_2:
0x4e: {  	(tag) =	ssettag $0x2  }
0x4f: {  	s0 =	rddreg [dreg:$0x0];
	s2 =	stileid.u32  }
0x50: {  	s1 =	rddreg [dreg:$0x1];
	p0 =	sne.s32 s2, $0x0  }
0x51: {  	s3 =	rddreg [dreg:$0x2];
	[bflag:$0x3] =	sbarrier.arrive $0xFFFF;
	s2 =	simm.s32 @!p0 $0x1C01  }
0x52: {  	[timem:s3], [sflag:s2] =	dma.local @!p0 [hbm:s0], s1  }
0x53: {  	s0 =	simm.s32 @!p0 $0x1  }
0x54: {  	_ =	swait.ge @!p0 [sflag:s0], s1  }
0x55: {  	s1 =	ssub.s32 @!p0 $0x0, s1;
	[sflag:s0] =	ssyncset.done @!p0 $0x0  }
0x56: {  	[sflag:s0] =	ssyncadd.s32 @!p0 s1  }
0x57: {  	[bflag:$0x3] =	sbarrier.arrive $0xFFFF  }
0x58: {  	_ =	shalt  }

// kernel: kernel.6.cloned.1.call-start
scs
__scs_entry_jumppad:
0x0: {  	(pc) =	sbr.rel $0x88, $3  }
0x1: {  	(tag) =	ssettag $0x0;
	lr =	simm.s32 $0x1  }
0x2: {  	[smem:$0x3F93] =	sst lr;
	_ =	strace $0xD0000000  }
0x3: {  	_ = 	snop  }
0x4: {  	_ = 	snop  }
0x5: {  	_ = 	snop  }
0x6: {  	_ = 	snop  }
0x7: {  	_ = 	snop  }
__scs_overlays_trampoline_lowered:
0x8: {  	[smem:$0x3FA2] =	sst s0  }
0x9: {  	[smem:$0x3FA3] =	sst s1  }
0xa: {  	[smem:$0x3FA4] =	sst s2  }
0xb: {  	[smem:$0x3FA5] =	sst s3  }
0xc: {  	[smem:$0x3FA6] =	sst s4  }
0xd: {  	[smem:$0x3FA7] =	sst s5  }
0xe: {  	[smem:$0x3FA8] =	sst s6  }
0xf: {  	[smem:$0x3FA9] =	sst s7  }
0x10: {  	[smem:$0x3FAA] =	sst s8  }
0x11: {  	[smem:$0x3FAB] =	sst s9;
	s0 =	simm.s32 @!p0 $0x0  }
0x12: {  	s1 =	sld [smem:$0x3F91];
	s0 =	simm.s32 @p0 $0x1  }
0x13: {  	[smem:$0x3FAC] =	sst s0;
	s0 =	simm.s32 @!p1 $0x0  }
0x14: {  	s2 =	sld [smem:$0x3F90];
	s0 =	simm.s32 @p1 $0x1  }
0x15: {  	[smem:$0x3FAD] =	sst s0;
	s0 =	simm.s32 @!p2 $0x0  }
0x16: {  	s3 =	sld [smem:$0x3FDB];
	s0 =	simm.s32 @p2 $0x1  }
0x17: {  	s4 =	simm.s32 $0x1BF5;
	[smem:$0x3FAF] =	sst s0  }
0x18: {  	s0 =	sld [smem:$0x3F92];
	_ =	swait.ge [sflag:s4], $0x0  }
0x19: {  	s7 =	sld [smem:$0x3F93]  }
0x1a: {  	s8 =	sadd.s32 $0xFFFFE003, lr  }
0x1b: {  	s9 =	sadd.s32 $0xFFFFFEF7, lr;
	s5 =	simm.s32 $0xFFFFFFFF;
	p2 =	slt.u32 s8, $0xFFFFF086  }
0x1c: {  	p1 =	slt.u32 s9, $0xF7A;
	s5 =	simm.s32 @!p2 $0x0  }
0x1d: {  	s5 =	simm.s32 @p1 $0x1;
	p0 =	seq.s32 s7, s2  }
0x1e: {  	s7 =	smul.u32 @!p0 $0xF7A, s2;
	p2 =	seq.s32 @!p0 s5, $0x0  }
0x1f: {  	s9 =	smul.u32 $0xF7A, s1;
	s8 =	simm.s32 @!p0 $0x1BF5;
	p2 =	por !p2, p0  }
0x20: {  	[sflag:s8] =	ssyncset.s32 @!p0 $0xFFFFF086;
	s6 =	sadd.s32 @!p0 s3, s7;
	s7 =	simm.s32 @!p0 $0x108  }
0x21: {  	s3 =	sadd.s32 s3, s9;
	s6 =	sadd.s32 @!p0 $0x88, s6;
	s7 =	simm.s32 @p2 $0x1082  }
0x22: {  	[simem:s7], [sflag:s8] =	dma.local @!p0 [hbm:s6], $0xF7A  }
0x23: {  	s9 =	sor.u32 $0xD0000000, s2;
	s6 =	simm.s32 $0x108;
	_ =	swait.ge @!p0 [sflag:s8], $0x0  }
0x24: {  	s3 =	sadd.s32 $0x88, s3;
	s6 =	simm.s32 @!p1 $0x1082;
	[sflag:s4] =	ssyncset.s32 $0xFFFFF086  }
0x25: {  	[simem:s6], [sflag:s4] =	dma.local [hbm:s3], $0xF7A  }
0x26: {  	[smem:$0x3F93] =	sst s1;
	(tag) =	ssettag s2;
	_ =	strace s9  }
0x27: {  	s1 =	sld [smem:$0x3FA3]  }
0x28: {  	s2 =	sld [smem:$0x3FA4]  }
0x29: {  	s4 =	sld [smem:$0x3FA6]  }
0x2a: {  	p0 =	seq.s32 s5, $0x0;
	s5 =	sld [smem:$0x3FA7]  }
0x2b: {  	s6 =	sld [smem:$0x3FA8]  }
0x2c: {  	s7 =	sld [smem:$0x3FA9]  }
0x2d: {  	s3 =	simm.s32 $0x108;
	s8 =	sld [smem:$0x3FAA]  }
0x2e: {  	s3 =	simm.s32 @!p0 $0x1082;
	s9 =	sld [smem:$0x3FAB]  }
0x2f: {  	lr =	sadd.s32 s0, s3;
	s0 =	sld [smem:$0x3FA2]  }
0x30: {  	s3 =	sld [smem:$0x3FA5]  }
0x31: {  	[smem:$0x3FAE] =	sst s10  }
0x32: {  	s10 =	sld [smem:$0x3FAC];
	_ =	sdelay $0x3  }
0x33: {  	p0 =	seq.s32 s10, $0x1;
	s10 =	sld [smem:$0x3FAE];
	_ =	sdelay $0x3  }
0x34: {  	[smem:$0x3FAE] =	sst s10  }
0x35: {  	s10 =	sld [smem:$0x3FAD];
	_ =	sdelay $0x3  }
0x36: {  	p1 =	seq.s32 s10, $0x1;
	s10 =	sld [smem:$0x3FAE];
	_ =	sdelay $0x3  }
0x37: {  	[smem:$0x3FAE] =	sst s10  }
0x38: {  	s10 =	sld [smem:$0x3FAF]  }
0x39: {  	_ = 	snop;
	(pc) =	sbr.ind lr, $3  }
0x3a: {  	_ = 	snop  }
0x3b: {  	_ = 	snop  }
0x3c: {  	p2 =	seq.s32 s10, $0x1;
	s10 =	sld [smem:$0x3FAE]  }
0x3d: {  	_ =	shalt  }
0x3e: {  	_ =	shalt  }
0x3f: {  	_ =	shalt  }
0x40: {  	_ =	shalt  }
0x41: {  	_ =	shalt  }
0x42: {  	_ =	shalt  }
0x43: {  	_ =	shalt  }
0x44: {  	_ =	shalt  }
0x45: {  	_ =	shalt  }
0x46: {  	_ =	shalt  }
0x47: {  	_ =	shalt  }
0x48: {  	_ =	shalt  }
0x49: {  	_ =	shalt  }
0x4a: {  	_ =	shalt  }
0x4b: {  	_ =	shalt  }
0x4c: {  	_ =	shalt  }
0x4d: {  	_ =	shalt  }
0x4e: {  	_ =	shalt  }
0x4f: {  	_ =	shalt  }
0x50: {  	_ =	shalt  }
0x51: {  	_ =	shalt  }
0x52: {  	_ =	shalt  }
0x53: {  	_ =	shalt  }
0x54: {  	_ =	shalt  }
0x55: {  	_ =	shalt  }
0x56: {  	_ =	shalt  }
0x57: {  	_ =	shalt  }
0x58: {  	_ =	shalt  }
0x59: {  	_ =	shalt  }
0x5a: {  	_ =	shalt  }
0x5b: {  	_ =	shalt  }
0x5c: {  	_ =	shalt  }
0x5d: {  	_ =	shalt  }
0x5e: {  	_ =	shalt  }
0x5f: {  	_ =	shalt  }
0x60: {  	_ =	shalt  }
0x61: {  	_ =	shalt  }
0x62: {  	_ =	shalt  }
0x63: {  	_ =	shalt  }
0x64: {  	_ =	shalt  }
0x65: {  	_ =	shalt  }
0x66: {  	_ =	shalt  }
0x67: {  	_ =	shalt  }
0x68: {  	_ =	shalt  }
0x69: {  	_ =	shalt  }
0x6a: {  	_ =	shalt  }
0x6b: {  	_ =	shalt  }
0x6c: {  	_ =	shalt  }
0x6d: {  	_ =	shalt  }
0x6e: {  	_ =	shalt  }
0x6f: {  	_ =	shalt  }
0x70: {  	_ =	shalt  }
0x71: {  	_ =	shalt  }
0x72: {  	_ =	shalt  }
0x73: {  	_ =	shalt  }
0x74: {  	_ =	shalt  }
0x75: {  	_ =	shalt  }
0x76: {  	_ =	shalt  }
0x77: {  	_ =	shalt  }
0x78: {  	_ =	shalt  }
0x79: {  	_ =	shalt  }
0x7a: {  	_ =	shalt  }
0x7b: {  	_ =	shalt  }
0x7c: {  	_ =	shalt  }
0x7d: {  	_ =	shalt  }
0x7e: {  	_ =	shalt  }
0x7f: {  	_ =	shalt  }
0x80: {  	_ =	shalt  }
0x81: {  	_ =	shalt  }
0x82: {  	_ =	shalt  }
0x83: {  	_ =	shalt  }
0x84: {  	_ =	shalt  }
0x85: {  	_ =	shalt  }
0x86: {  	_ =	shalt  }
0x87: {  	_ =	shalt  }
.Lfunc_end0:
.L_simem_size_0:
called_computation.1_lowered:
.L_overlay_start_0:
0x88: {  	s2 =	sld [smem:$0x3FD9]  }
0x89: {  	s3 =	sld [smem:$0x3FFE];
	_ =	sdelay $0x1  }
0x8a: {  	s1 =	srdreg.scid  }
0x8b: {  	s0 =	sand.u32 $0x1, s1  }
0x8c: {  	s17 =	sshll.u32 s0, $0xA;
	s2 =	sadd.s32 s3, s2  }
0x8d: {  	s2 =	sadd.s32 s2, s17  }
0x8e: {  	[smem:$0x3FBA] =	sst s2  }
0x8f: {  	_ = 	snop  }
0x90: {  	s2 =	sld [smem:$0x3FC7];
	(tm) =	ssettm $0x1  }
0x91: {  	s18 =	sld [smem:$0x3FFB];
	_ =	sdelay $0x3  }
0x92: {  	_ =	strace s18  }
0x93: {  	s3 =	sld [smem:$0x3FFC];
	_ =	sdelay $0x3  }
0x94: {  	_ =	strace s3  }
0x95: {  	s3 =	sld [smem:$0x3FFD];
	_ =	sdelay $0x3  }
0x96: {  	_ =	strace s3  }
0x97: {  	_ =	strace $0x8FFFFFFF  }
0x98: {  	s19 =	sld [smem:$0x3FDB];
	_ =	sdelay $0x1  }
0x99: {  	s4 =	simm.s32 $_scs_section_size  }
0x9a: {  	s5 =	simm.s32 $_size__tile_overlayer_lowered;
	s6 =	simm.s32 $_tile_overlayer_lowered  }
0x9b: {  	s22 =	simm.s32 $0x1BFF;
	s21 =	sshll.u32 s6, $0x1;
	s3 =	sadd.s32 s4, s19  }
0x9c: {  	s7 =	simm.s32 $0x0;
	s20 =	sshll.u32 s5, $0x1;
	s5 =	sadd.s32 s21, s3  }
0x9d: {  	[timem:s7], [sflag:s22] =	dma.local [hbm:s5], s20  }
0x9e: {  	_ =	swait.ge [sflag:s22], s20  }
0x9f: {  	s4 =	ssub.s32 $0x0, s20;
	[sflag:s22] =	ssyncset.done $0x0  }
0xa0: {  	[sflag:s22] =	ssyncadd.s32 s4;
	_ =	sdelay $0x1  }
0xa1: {  	s23 =	simm.s32 $0x1B8B  }
0xa2: {  	_ =	swait.ge [sflag:s23], $0x1  }
0xa3: {  	[sflag:s23] =	ssyncset.done $0x0  }
0xa4: {  	s25 =	simm.s32 $0x1B8E;
	s24 =	sld [smem:$0x3FFE];
	[sflag:s23] =	ssyncadd.s32 $0xFFFFFFFF  }
0xa5: {  	s26 =	simm.s32 $execute0_lowered;
	[smem:$0x3FD2] =	sst s25  }
0xa6: {  	s5 =	sshll.u32 s26, $0x1;
	_ =	strace $0x80000049;
	[dreg:$0x1] =	wrdreg $0xFFFFFFFF  }
0xa7: {  	s28 =	simm.s32 $_size_execute0_lowered;
	s3 =	sadd.s32 s3, s5;
	[dreg:$0x0] =	wrdreg $0x0  }
0xa8: {  	s5 =	sshll.u32 s28, $0x1;
	[dreg:$0x2] =	wrdreg s3  }
0xa9: {  	[dreg:$0x3] =	wrdreg s5  }
0xaa: {  	[dreg:$0x4] =	wrdreg $0xC0  }
0xab: {  	_ =	task [dreg:s7], $0x5FFFF  }
0xac: {  	[dreg:$0x1] =	wrdreg $0xFFFFFFFF  }
0xad: {  	[dreg:$0x0] =	wrdreg $0x60  }
0xae: {  	[dreg:$0x2] =	wrdreg s2  }
0xaf: {  	[dreg:$0x3] =	wrdreg s24  }
0xb0: {  	[dreg:$0x4] =	wrdreg $0x9  }
0xb1: {  	_ =	task.clear_ibuf [dreg:s7], $0x5FFFF;
	_ =	strace $0x90000049  }
0xb2: {  	s29 =	simm.s32 $0x9;
	_ =	strace $0x8000004B  }
0xb3: {  	_ =	swait.ge [sflag:s29], $0x1  }
0xb4: {  	[sflag:s29] =	ssyncadd.s32 $0xFFFFFFFF  }
0xb5: {  	_ =	strace $0x9000004B  }
0xb6: {  	_ =	sfence  }
0xb7: {  	s30 =	sld [smem:$0x0];
	_ =	sdelay $0x2  }
0xb8: {  	s31 =	sshll.u32 s1, $0xD;
	s1 =	sshrl.u32 s1, $0x2  }
0xb9: {  	s3 =	sand.u32 $0x4000, s31;
	s1 =	sadd.s32 s1, s30  }
0xba: {  	s0 =	sor.u32 s3, s0;
	s1 =	sshll.u32 s1, $0x11  }
0xbb: {  	s0 =	sor.u32 s1, s0  }
0xbc: {  	s0 =	sadd.s32 $0x8F2B, s0  }
0xbd: {  	[sflag:s0] =	ssyncadd.remote.s32 $0x1  }
0xbe: {  	_ =	sfence.sel $0xFFFF  }
0xbf: {  	[dreg:$0x0] =	wrdreg $0xFFFFFFFF;
	(pc) =	sbr.abs _section_cstart, $3  }
0xc0: {  	[dreg:$0x1] =	wrdreg $0xFFFFFFFF  }
0xc1: {  	_ =	task.clear_ibuf [dreg:s7], $0x2FFFF;
	_ =	strace $0x9FFFFFFF  }
0xc2: {  	(tm) =	ssettm $0x7FFFFFFF  }
0xc3: {  	_ =	shalt  }
tec
execute0_lowered:
.L_overlay_start_1:
0x0: {  	(tag) =	ssettag $0x1  }
0x1: {  	s1 =	rddreg [dreg:$0x0]  }
0x2: {  	s4 =	rddreg [dreg:$0x1]  }
0x3: {  	s0 =	rddreg [dreg:$0x2]  }
0x4: {  	s3 =	simm.s32 $0x0;
	s5 =	srdreg.scid;
	s2 =	stileid.u32  }
0x5: {  	s11 =	simm.s32 $0x880;
	s12 =	simm.s32 $0x1080;
	s13 =	simm.s32 $0x1880  }
0x6: {  	s14 =	simm.s32 $0x2080;
	s15 =	simm.s32 $0x2880;
	s16 =	simm.s32 $0x3080  }
0x7: {  	s17 =	simm.s32 $0x3880;
	s18 =	simm.s32 $0x4080;
	s19 =	simm.s32 $0x4880  }
0x8: {  	s20 =	simm.s32 $0x5080;
	s21 =	simm.s32 $0x5880;
	s22 =	simm.s32 $0x6080  }
0x9: {  	s23 =	simm.s32 $0x6880;
	s24 =	simm.s32 $0x7080;
	s25 =	simm.s32 $0x7880  }
0xa: {  	s26 =	simm.s32 $0x1;
	[smem:$0x7FF] =	sst s3;
	s5 =	sand.u32 $0x1, s5  }
0xb: {  	s7 =	sshll.u32 s2, $0x9;
	s8 =	sadd.s32 $0x2C00, s4;
	s6 =	ssub.s32 $0x2, s5  }
0xc: {  	s28 =	sadd.s32 $0x3000, s4;
	s5 =	sshll.u32 s5, $0x8;
	s9 =	sshrl.u32 s6, $0x1  }
0xd: {  	_ =	strace $0x8000004A;
	s5 =	sor.u32 s5, s7;
	s9 =	ssub.s32 s6, s9  }
0xe: {  	s29 =	sshrl.u32 s5, $0x3;
	s30 =	sshll.u32 s5, $0x5;
	s10 =	sor.u32 $0x80, s5  }
0xf: {  	v2 =	vlaneseq.u32;
	s4 =	sadd.s32 s8, s29;
	s31 =	sshrl.u32 s10, $0x3;
	s10 =	sshll.u32 s10, $0x5  }
0x10: {  	vm0 =	vmmov $0xffff;
	v1 =	vshrl.u32 v2, $0x3;
	s5 =	sadd.s32 s28, s30;
	s6 =	sadd.s32 s8, s31;
	s7 =	sadd.s32 s28, s10  }
0x11: {  	v0 =	vand.u32 $0x7, v2;
	v2 =	vor.u32 $0x8, v2;
	v1 =	vmul.u32 $0x8, v1;
	s8 =	smax.u32 s9, $0x1;
	s9 =	simm.s32 $0x2;
	s10 =	simm.s32 $0x80  }
.LBB2_1:
0x12: {  	[tilespmem:s3], [sflag:$0x2] =	stream.linear.gather [hbm4b:s4+s3], $0x80, $0x38;
	[tilespmem:$0x8080] =	vst v63  }
0x13: {  	_ =	swait.ge [sflag:s9], $0x80  }
0x14: {  	[sflag:s9] =	ssyncset.done $0x0  }
0x15: {  	[sflag:s9] =	ssyncadd.s32 $0xFFFFFF80  }
0x16: {  	v3 =	vld [tilespmem:$0x0];
	_ =	sdelay $0x4  }
0x17: {  	v4 =	vshll.u32 v3, $0x1  }
0x18: {  	v3 =	vand.u32 $0x7, v3;
	v4 =	vand.u32 $0xFFFFFFF0, v4  }
0x19: {  	v3 =	vor.u32 v3, v4  }
0x1a: {  	v4 =	vperm.xlane v3, v0;
	_ =	sdelay $0x1  }
0x1b: {  	v3 =	vperm.xlane v3, v2;
	v4 =	vadd.s32 v1, v4;
	_ =	sdelay $0x1  }
0x1c: {  	v3 =	vadd.s32 v1, v3;
	_ =	sdelay $0x2  }
0x1d: {  	[tilespmem:s10], [sflag:$0x1] =	stream.indirect_vreg.gather [hbm4b:s1+s3], $0x80, v4, vm0, $0xb8;
	[tilespmem:$0x8080] =	vst v63  }
0x1e: {  	_ = 	snop  }
0x1f: {  	[tilespmem:s11], [sflag:$0x1] =	stream.indirect_vreg.gather [hbm4b:s1+s3], $0x80, v3, vm0, $0xb8;
	[tilespmem:$0x8080] =	vst v63  }
0x20: {  	v3 =	vld [tilespmem:$0x10];
	_ =	sdelay $0x4  }
0x21: {  	v49 =	vshll.u32 v3, $0x1  }
0x22: {  	v3 =	vand.u32 $0x7, v3;
	v4 =	vand.u32 $0xFFFFFFF0, v49  }
0x23: {  	v3 =	vor.u32 v3, v4  }
0x24: {  	v4 =	vperm.xlane v3, v0;
	_ =	sdelay $0x1  }
0x25: {  	v3 =	vperm.xlane v3, v2;
	v4 =	vadd.s32 v1, v4;
	_ =	sdelay $0x1  }
0x26: {  	v3 =	vadd.s32 v1, v3;
	_ =	sdelay $0x2  }
0x27: {  	[tilespmem:s12], [sflag:$0x1] =	stream.indirect_vreg.gather [hbm4b:s1+s3], $0x80, v4, vm0, $0xb8;
	[tilespmem:$0x8080] =	vst v63  }
0x28: {  	_ = 	snop  }
0x29: {  	[tilespmem:s13], [sflag:$0x1] =	stream.indirect_vreg.gather [hbm4b:s1+s3], $0x80, v3, vm0, $0xb8;
	[tilespmem:$0x8080] =	vst v63  }
0x2a: {  	v3 =	vld [tilespmem:$0x20];
	_ =	sdelay $0x4  }
0x2b: {  	v50 =	vshll.u32 v3, $0x1  }
0x2c: {  	v3 =	vand.u32 $0x7, v3;
	v4 =	vand.u32 $0xFFFFFFF0, v50  }
0x2d: {  	v3 =	vor.u32 v3, v4  }
0x2e: {  	v4 =	vperm.xlane v3, v0;
	_ =	sdelay $0x1  }
0x2f: {  	v3 =	vperm.xlane v3, v2;
	v4 =	vadd.s32 v1, v4;
	_ =	sdelay $0x1  }
0x30: {  	v3 =	vadd.s32 v1, v3;
	_ =	sdelay $0x2  }
0x31: {  	[tilespmem:s14], [sflag:$0x1] =	stream.indirect_vreg.gather [hbm4b:s1+s3], $0x80, v4, vm0, $0xb8;
	[tilespmem:$0x8080] =	vst v63  }
0x32: {  	_ = 	snop  }
0x33: {  	[tilespmem:s15], [sflag:$0x1] =	stream.indirect_vreg.gather [hbm4b:s1+s3], $0x80, v3, vm0, $0xb8;
	[tilespmem:$0x8080] =	vst v63  }
0x34: {  	v3 =	vld [tilespmem:$0x30];
	_ =	sdelay $0x4  }
0x35: {  	v51 =	vshll.u32 v3, $0x1  }
0x36: {  	v3 =	vand.u32 $0x7, v3;
	v4 =	vand.u32 $0xFFFFFFF0, v51  }
0x37: {  	v3 =	vor.u32 v3, v4  }
0x38: {  	v4 =	vperm.xlane v3, v0;
	_ =	sdelay $0x1  }
0x39: {  	v3 =	vperm.xlane v3, v2;
	v4 =	vadd.s32 v1, v4;
	_ =	sdelay $0x1  }
0x3a: {  	v3 =	vadd.s32 v1, v3;
	_ =	sdelay $0x2  }
0x3b: {  	[tilespmem:s16], [sflag:$0x1] =	stream.indirect_vreg.gather [hbm4b:s1+s3], $0x80, v4, vm0, $0xb8;
	[tilespmem:$0x8080] =	vst v63  }
0x3c: {  	_ = 	snop  }
0x3d: {  	[tilespmem:s17], [sflag:$0x1] =	stream.indirect_vreg.gather [hbm4b:s1+s3], $0x80, v3, vm0, $0xb8;
	[tilespmem:$0x8080] =	vst v63  }
0x3e: {  	v3 =	vld [tilespmem:$0x40];
	_ =	sdelay $0x4  }
0x3f: {  	v52 =	vshll.u32 v3, $0x1  }
0x40: {  	v3 =	vand.u32 $0x7, v3;
	v4 =	vand.u32 $0xFFFFFFF0, v52  }
0x41: {  	v3 =	vor.u32 v3, v4  }
0x42: {  	v4 =	vperm.xlane v3, v0;
	_ =	sdelay $0x1  }
0x43: {  	v3 =	vperm.xlane v3, v2;
	v4 =	vadd.s32 v1, v4;
	_ =	sdelay $0x1  }
0x44: {  	v3 =	vadd.s32 v1, v3;
	_ =	sdelay $0x2  }
0x45: {  	[tilespmem:s18], [sflag:$0x1] =	stream.indirect_vreg.gather [hbm4b:s1+s3], $0x80, v4, vm0, $0xb8;
	[tilespmem:$0x8080] =	vst v63  }
0x46: {  	_ = 	snop  }
0x47: {  	[tilespmem:s19], [sflag:$0x1] =	stream.indirect_vreg.gather [hbm4b:s1+s3], $0x80, v3, vm0, $0xb8;
	[tilespmem:$0x8080] =	vst v63  }
0x48: {  	v3 =	vld [tilespmem:$0x50];
	_ =	sdelay $0x4  }
0x49: {  	v53 =	vshll.u32 v3, $0x1  }
0x4a: {  	v3 =	vand.u32 $0x7, v3;
	v4 =	vand.u32 $0xFFFFFFF0, v53  }
0x4b: {  	v3 =	vor.u32 v3, v4  }
0x4c: {  	v4 =	vperm.xlane v3, v0;
	_ =	sdelay $0x1  }
0x4d: {  	v3 =	vperm.xlane v3, v2;
	v4 =	vadd.s32 v1, v4;
	_ =	sdelay $0x1  }
0x4e: {  	v3 =	vadd.s32 v1, v3;
	_ =	sdelay $0x2  }
0x4f: {  	[tilespmem:s20], [sflag:$0x1] =	stream.indirect_vreg.gather [hbm4b:s1+s3], $0x80, v4, vm0, $0xb8;
	[tilespmem:$0x8080] =	vst v63  }
0x50: {  	_ = 	snop  }
0x51: {  	[tilespmem:s21], [sflag:$0x1] =	stream.indirect_vreg.gather [hbm4b:s1+s3], $0x80, v3, vm0, $0xb8;
	[tilespmem:$0x8080] =	vst v63  }
0x52: {  	v3 =	vld [tilespmem:$0x60];
	_ =	sdelay $0x4  }
0x53: {  	v54 =	vshll.u32 v3, $0x1  }
0x54: {  	v3 =	vand.u32 $0x7, v3;
	v4 =	vand.u32 $0xFFFFFFF0, v54  }
0x55: {  	v3 =	vor.u32 v3, v4  }
0x56: {  	v4 =	vperm.xlane v3, v0;
	_ =	sdelay $0x1  }
0x57: {  	v3 =	vperm.xlane v3, v2;
	v4 =	vadd.s32 v1, v4;
	_ =	sdelay $0x1  }
0x58: {  	v3 =	vadd.s32 v1, v3;
	_ =	sdelay $0x2  }
0x59: {  	[tilespmem:s22], [sflag:$0x1] =	stream.indirect_vreg.gather [hbm4b:s1+s3], $0x80, v4, vm0, $0xb8;
	[tilespmem:$0x8080] =	vst v63  }
0x5a: {  	_ = 	snop  }
0x5b: {  	[tilespmem:s23], [sflag:$0x1] =	stream.indirect_vreg.gather [hbm4b:s1+s3], $0x80, v3, vm0, $0xb8;
	[tilespmem:$0x8080] =	vst v63  }
0x5c: {  	v3 =	vld [tilespmem:$0x70];
	_ =	sdelay $0x4  }
0x5d: {  	v55 =	vshll.u32 v3, $0x1  }
0x5e: {  	v3 =	vand.u32 $0x7, v3;
	v4 =	vand.u32 $0xFFFFFFF0, v55  }
0x5f: {  	v3 =	vor.u32 v3, v4  }
0x60: {  	v4 =	vperm.xlane v3, v0;
	_ =	sdelay $0x1  }
0x61: {  	v3 =	vperm.xlane v3, v2;
	v4 =	vadd.s32 v1, v4;
	_ =	sdelay $0x1  }
0x62: {  	v3 =	vadd.s32 v1, v3;
	_ =	sdelay $0x2  }
0x63: {  	[tilespmem:s24], [sflag:$0x1] =	stream.indirect_vreg.gather [hbm4b:s1+s3], $0x80, v4, vm0, $0xb8;
	[tilespmem:$0x8080] =	vst v63  }
0x64: {  	_ = 	snop  }
0x65: {  	[tilespmem:s25], [sflag:$0x1] =	stream.indirect_vreg.gather [hbm4b:s1+s3], $0x80, v3, vm0, $0xb8;
	[tilespmem:$0x8080] =	vst v63  }
0x66: {  	_ =	swait.ge [sflag:s26], $0x8000  }
0x67: {  	[sflag:s26] =	ssyncset.done $0x0  }
0x68: {  	[sflag:s26] =	ssyncadd.s32 $0xFFFF8000  }
0x69: {  	[hbm4b:s5+s3] =	stream.linear.scatter [tilespmem:s10], [sflag:$0x2], $0x8000, $0x38;
	[tilespmem:$0x8080] =	vst v63  }
0x6a: {  	_ =	swait.ge [sflag:s9], $0x8000  }
0x6b: {  	[sflag:s9] =	ssyncset.done $0x0  }
0x6c: {  	[sflag:s9] =	ssyncadd.s32 $0xFFFF8000  }
0x6d: {  	[tilespmem:s3], [sflag:$0x2] =	stream.linear.gather [hbm4b:s6+s3], $0x80, $0x38;
	[tilespmem:$0x8080] =	vst v63  }
0x6e: {  	_ =	swait.ge [sflag:s9], $0x80  }
0x6f: {  	[sflag:s9] =	ssyncset.done $0x0  }
0x70: {  	[sflag:s9] =	ssyncadd.s32 $0xFFFFFF80  }
0x71: {  	v3 =	vld [tilespmem:$0x0];
	_ =	sdelay $0x4  }
0x72: {  	v56 =	vshll.u32 v3, $0x1  }
0x73: {  	v3 =	vand.u32 $0x7, v3;
	v4 =	vand.u32 $0xFFFFFFF0, v56  }
0x74: {  	v3 =	vor.u32 v3, v4  }
0x75: {  	v4 =	vperm.xlane v3, v0;
	_ =	sdelay $0x1  }
0x76: {  	v3 =	vperm.xlane v3, v2;
	v4 =	vadd.s32 v1, v4;
	_ =	sdelay $0x1  }
0x77: {  	v3 =	vadd.s32 v1, v3;
	_ =	sdelay $0x2  }
0x78: {  	[tilespmem:s10], [sflag:$0x1] =	stream.indirect_vreg.gather [hbm4b:s1+s3], $0x80, v4, vm0, $0xb8;
	[tilespmem:$0x8080] =	vst v63  }
0x79: {  	_ = 	snop  }
0x7a: {  	[tilespmem:s11], [sflag:$0x1] =	stream.indirect_vreg.gather [hbm4b:s1+s3], $0x80, v3, vm0, $0xb8;
	[tilespmem:$0x8080] =	vst v63  }
0x7b: {  	v3 =	vld [tilespmem:$0x10];
	_ =	sdelay $0x4  }
0x7c: {  	v57 =	vshll.u32 v3, $0x1  }
0x7d: {  	v3 =	vand.u32 $0x7, v3;
	v4 =	vand.u32 $0xFFFFFFF0, v57  }
0x7e: {  	v3 =	vor.u32 v3, v4  }
0x7f: {  	v4 =	vperm.xlane v3, v0;
	_ =	sdelay $0x1  }
0x80: {  	v3 =	vperm.xlane v3, v2;
	v4 =	vadd.s32 v1, v4;
	_ =	sdelay $0x1  }
0x81: {  	v3 =	vadd.s32 v1, v3;
	_ =	sdelay $0x2  }
0x82: {  	[tilespmem:s12], [sflag:$0x1] =	stream.indirect_vreg.gather [hbm4b:s1+s3], $0x80, v4, vm0, $0xb8;
	[tilespmem:$0x8080] =	vst v63  }
0x83: {  	_ = 	snop  }
0x84: {  	[tilespmem:s13], [sflag:$0x1] =	stream.indirect_vreg.gather [hbm4b:s1+s3], $0x80, v3, vm0, $0xb8;
	[tilespmem:$0x8080] =	vst v63  }
0x85: {  	v3 =	vld [tilespmem:$0x20];
	_ =	sdelay $0x4  }
0x86: {  	v58 =	vshll.u32 v3, $0x1  }
0x87: {  	v3 =	vand.u32 $0x7, v3;
	v4 =	vand.u32 $0xFFFFFFF0, v58  }
0x88: {  	v3 =	vor.u32 v3, v4  }
0x89: {  	v4 =	vperm.xlane v3, v0;
	_ =	sdelay $0x1  }
0x8a: {  	v3 =	vperm.xlane v3, v2;
	v4 =	vadd.s32 v1, v4;
	_ =	sdelay $0x1  }
0x8b: {  	v3 =	vadd.s32 v1, v3;
	_ =	sdelay $0x2  }
0x8c: {  	[tilespmem:s14], [sflag:$0x1] =	stream.indirect_vreg.gather [hbm4b:s1+s3], $0x80, v4, vm0, $0xb8;
	[tilespmem:$0x8080] =	vst v63  }
0x8d: {  	_ = 	snop  }
0x8e: {  	[tilespmem:s15], [sflag:$0x1] =	stream.indirect_vreg.gather [hbm4b:s1+s3], $0x80, v3, vm0, $0xb8;
	[tilespmem:$0x8080] =	vst v63  }
0x8f: {  	v3 =	vld [tilespmem:$0x30];
	_ =	sdelay $0x4  }
0x90: {  	v59 =	vshll.u32 v3, $0x1  }
0x91: {  	v3 =	vand.u32 $0x7, v3;
	v4 =	vand.u32 $0xFFFFFFF0, v59  }
0x92: {  	v3 =	vor.u32 v3, v4  }
0x93: {  	v4 =	vperm.xlane v3, v0;
	_ =	sdelay $0x1  }
0x94: {  	v3 =	vperm.xlane v3, v2;
	v4 =	vadd.s32 v1, v4;
	_ =	sdelay $0x1  }
0x95: {  	v3 =	vadd.s32 v1, v3;
	_ =	sdelay $0x2  }
0x96: {  	[tilespmem:s16], [sflag:$0x1] =	stream.indirect_vreg.gather [hbm4b:s1+s3], $0x80, v4, vm0, $0xb8;
	[tilespmem:$0x8080] =	vst v63  }
0x97: {  	_ = 	snop  }
0x98: {  	[tilespmem:s17], [sflag:$0x1] =	stream.indirect_vreg.gather [hbm4b:s1+s3], $0x80, v3, vm0, $0xb8;
	[tilespmem:$0x8080] =	vst v63  }
0x99: {  	v3 =	vld [tilespmem:$0x40];
	_ =	sdelay $0x4  }
0x9a: {  	v60 =	vshll.u32 v3, $0x1  }
0x9b: {  	v3 =	vand.u32 $0x7, v3;
	v4 =	vand.u32 $0xFFFFFFF0, v60  }
0x9c: {  	v3 =	vor.u32 v3, v4  }
0x9d: {  	v4 =	vperm.xlane v3, v0;
	_ =	sdelay $0x1  }
0x9e: {  	v3 =	vperm.xlane v3, v2;
	v4 =	vadd.s32 v1, v4;
	_ =	sdelay $0x1  }
0x9f: {  	v3 =	vadd.s32 v1, v3;
	_ =	sdelay $0x2  }
0xa0: {  	[tilespmem:s18], [sflag:$0x1] =	stream.indirect_vreg.gather [hbm4b:s1+s3], $0x80, v4, vm0, $0xb8;
	[tilespmem:$0x8080] =	vst v63  }
0xa1: {  	_ = 	snop  }
0xa2: {  	[tilespmem:s19], [sflag:$0x1] =	stream.indirect_vreg.gather [hbm4b:s1+s3], $0x80, v3, vm0, $0xb8;
	[tilespmem:$0x8080] =	vst v63  }
0xa3: {  	v3 =	vld [tilespmem:$0x50];
	_ =	sdelay $0x4  }
0xa4: {  	v61 =	vshll.u32 v3, $0x1  }
0xa5: {  	v3 =	vand.u32 $0x7, v3;
	v4 =	vand.u32 $0xFFFFFFF0, v61  }
0xa6: {  	v3 =	vor.u32 v3, v4  }
0xa7: {  	v4 =	vperm.xlane v3, v0;
	_ =	sdelay $0x1  }
0xa8: {  	v3 =	vperm.xlane v3, v2;
	v4 =	vadd.s32 v1, v4;
	_ =	sdelay $0x1  }
0xa9: {  	v3 =	vadd.s32 v1, v3;
	_ =	sdelay $0x2  }
0xaa: {  	[tilespmem:s20], [sflag:$0x1] =	stream.indirect_vreg.gather [hbm4b:s1+s3], $0x80, v4, vm0, $0xb8;
	[tilespmem:$0x8080] =	vst v63  }
0xab: {  	_ = 	snop  }
0xac: {  	[tilespmem:s21], [sflag:$0x1] =	stream.indirect_vreg.gather [hbm4b:s1+s3], $0x80, v3, vm0, $0xb8;
	[tilespmem:$0x8080] =	vst v63  }
0xad: {  	v3 =	vld [tilespmem:$0x60];
	_ =	sdelay $0x4  }
0xae: {  	v62 =	vshll.u32 v3, $0x1  }
0xaf: {  	v3 =	vand.u32 $0x7, v3;
	v4 =	vand.u32 $0xFFFFFFF0, v62  }
0xb0: {  	v3 =	vor.u32 v3, v4  }
0xb1: {  	v4 =	vperm.xlane v3, v0;
	_ =	sdelay $0x1  }
0xb2: {  	v3 =	vperm.xlane v3, v2;
	v4 =	vadd.s32 v1, v4;
	_ =	sdelay $0x1  }
0xb3: {  	v3 =	vadd.s32 v1, v3;
	_ =	sdelay $0x2  }
0xb4: {  	[tilespmem:s22], [sflag:$0x1] =	stream.indirect_vreg.gather [hbm4b:s1+s3], $0x80, v4, vm0, $0xb8;
	[tilespmem:$0x8080] =	vst v63  }
0xb5: {  	_ = 	snop  }
0xb6: {  	[tilespmem:s23], [sflag:$0x1] =	stream.indirect_vreg.gather [hbm4b:s1+s3], $0x80, v3, vm0, $0xb8;
	[tilespmem:$0x8080] =	vst v63  }
0xb7: {  	v3 =	vld [tilespmem:$0x70];
	_ =	sdelay $0x4  }
0xb8: {  	v63 =	vshll.u32 v3, $0x1  }
0xb9: {  	v3 =	vand.u32 $0x7, v3;
	v4 =	vand.u32 $0xFFFFFFF0, v63  }
0xba: {  	v3 =	vor.u32 v3, v4  }
0xbb: {  	v4 =	vperm.xlane v3, v0;
	_ =	sdelay $0x1  }
0xbc: {  	v3 =	vperm.xlane v3, v2;
	v4 =	vadd.s32 v1, v4;
	_ =	sdelay $0x1  }
0xbd: {  	v3 =	vadd.s32 v1, v3;
	_ =	sdelay $0x2  }
0xbe: {  	[tilespmem:s24], [sflag:$0x1] =	stream.indirect_vreg.gather [hbm4b:s1+s3], $0x80, v4, vm0, $0xb8;
	[tilespmem:$0x8080] =	vst v63  }
0xbf: {  	_ = 	snop  }
0xc0: {  	[tilespmem:s25], [sflag:$0x1] =	stream.indirect_vreg.gather [hbm4b:s1+s3], $0x80, v3, vm0, $0xb8;
	[tilespmem:$0x8080] =	vst v63  }
0xc1: {  	_ =	swait.ge [sflag:s26], $0x8000  }
0xc2: {  	p0 =	sne.s32 s8, $0x1;
	[sflag:s26] =	ssyncset.done $0x0  }
.Ltmp0:
0xc3: {  	[sflag:s26] =	ssyncadd.s32 $0xFFFF8000;
	(pc) =	sbr.rel @p0 .LBB2_1-.Ltmp0, $4  }
0xc4: {  	[hbm4b:s7+s3] =	stream.linear.scatter [tilespmem:s10], [sflag:$0x2], $0x8000, $0x38;
	[tilespmem:$0x8080] =	vst v63  }
0xc5: {  	_ =	swait.ge [sflag:s9], $0x8000  }
0xc6: {  	[sflag:s9] =	ssyncset.done $0x0  }
0xc7: {  	s8 =	sadd.s32 $0xFFFFFFFF, s8;
	[sflag:s9] =	ssyncadd.s32 $0xFFFF8000  }
0xc8: {  	_ =	sfence.sel $0x180000  }
0xc9: {  	[bflag:$0x0] =	sbarrier.arrive $0xFFFF  }
0xca: {  	p0 =	sne.s32 s2, $0x0;
	_ =	strace $0x9000004A  }
0xcb: {  	s0 =	sadd.s32 @!p0 $0x100000, s0;
	[bflag:$0x2] =	sbarrier.arrive $0xFFFF  }
0xcc: {  	[sflag:s0] =	ssyncadd.tile.s32 @!p0 $0x1;
	_ =	shalt  }
.Lfunc_end2:
_tile_overlayer_lowered:
.L_overlay_start_2:
0xcd: {  	(tag) =	ssettag $0x2  }
0xce: {  	s0 =	rddreg [dreg:$0x0];
	s2 =	stileid.u32  }
0xcf: {  	s1 =	rddreg [dreg:$0x1];
	p0 =	sne.s32 s2, $0x0  }
0xd0: {  	s3 =	rddreg [dreg:$0x2];
	[bflag:$0x3] =	sbarrier.arrive $0xFFFF;
	s2 =	simm.s32 @!p0 $0x1C02  }
0xd1: {  	[timem:s3], [sflag:s2] =	dma.local @!p0 [hbm:s0], s1  }
0xd2: {  	s0 =	simm.s32 @!p0 $0x2  }
0xd3: {  	_ =	swait.ge @!p0 [sflag:s0], s1  }
0xd4: {  	s1 =	ssub.s32 @!p0 $0x0, s1;
	[sflag:s0] =	ssyncset.done @!p0 $0x0  }
0xd5: {  	[sflag:s0] =	ssyncadd.s32 @!p0 s1  }
0xd6: {  	[bflag:$0x3] =	sbarrier.arrive $0xFFFF  }
0xd7: {  	_ =	shalt  }

// kernel: kernel.9.cloned.1.call-start
scs
__scs_entry_jumppad:
0x0: {  	(pc) =	sbr.rel $0x88, $3  }
0x1: {  	(tag) =	ssettag $0x0;
	lr =	simm.s32 $0x1  }
0x2: {  	[smem:$0x3F93] =	sst lr;
	_ =	strace $0xD0000000  }
0x3: {  	_ = 	snop  }
0x4: {  	_ = 	snop  }
0x5: {  	_ = 	snop  }
0x6: {  	_ = 	snop  }
0x7: {  	_ = 	snop  }
__scs_overlays_trampoline_lowered:
0x8: {  	[smem:$0x3FA2] =	sst s0  }
0x9: {  	[smem:$0x3FA3] =	sst s1  }
0xa: {  	[smem:$0x3FA4] =	sst s2  }
0xb: {  	[smem:$0x3FA5] =	sst s3  }
0xc: {  	[smem:$0x3FA6] =	sst s4  }
0xd: {  	[smem:$0x3FA7] =	sst s5  }
0xe: {  	[smem:$0x3FA8] =	sst s6  }
0xf: {  	[smem:$0x3FA9] =	sst s7  }
0x10: {  	[smem:$0x3FAA] =	sst s8  }
0x11: {  	[smem:$0x3FAB] =	sst s9;
	s0 =	simm.s32 @!p0 $0x0  }
0x12: {  	s1 =	sld [smem:$0x3F91];
	s0 =	simm.s32 @p0 $0x1  }
0x13: {  	[smem:$0x3FAC] =	sst s0;
	s0 =	simm.s32 @!p1 $0x0  }
0x14: {  	s2 =	sld [smem:$0x3F90];
	s0 =	simm.s32 @p1 $0x1  }
0x15: {  	[smem:$0x3FAD] =	sst s0;
	s0 =	simm.s32 @!p2 $0x0  }
0x16: {  	s3 =	sld [smem:$0x3FDB];
	s0 =	simm.s32 @p2 $0x1  }
0x17: {  	s4 =	simm.s32 $0x1BF5;
	[smem:$0x3FAF] =	sst s0  }
0x18: {  	s0 =	sld [smem:$0x3F92];
	_ =	swait.ge [sflag:s4], $0x0  }
0x19: {  	s7 =	sld [smem:$0x3F93]  }
0x1a: {  	s8 =	sadd.s32 $0xFFFFE003, lr  }
0x1b: {  	s9 =	sadd.s32 $0xFFFFFEF7, lr;
	s5 =	simm.s32 $0xFFFFFFFF;
	p2 =	slt.u32 s8, $0xFFFFF086  }
0x1c: {  	p1 =	slt.u32 s9, $0xF7A;
	s5 =	simm.s32 @!p2 $0x0  }
0x1d: {  	s5 =	simm.s32 @p1 $0x1;
	p0 =	seq.s32 s7, s2  }
0x1e: {  	s7 =	smul.u32 @!p0 $0xF7A, s2;
	p2 =	seq.s32 @!p0 s5, $0x0  }
0x1f: {  	s9 =	smul.u32 $0xF7A, s1;
	s8 =	simm.s32 @!p0 $0x1BF5;
	p2 =	por !p2, p0  }
0x20: {  	[sflag:s8] =	ssyncset.s32 @!p0 $0xFFFFF086;
	s6 =	sadd.s32 @!p0 s3, s7;
	s7 =	simm.s32 @!p0 $0x108  }
0x21: {  	s3 =	sadd.s32 s3, s9;
	s6 =	sadd.s32 @!p0 $0x88, s6;
	s7 =	simm.s32 @p2 $0x1082  }
0x22: {  	[simem:s7], [sflag:s8] =	dma.local @!p0 [hbm:s6], $0xF7A  }
0x23: {  	s9 =	sor.u32 $0xD0000000, s2;
	s6 =	simm.s32 $0x108;
	_ =	swait.ge @!p0 [sflag:s8], $0x0  }
0x24: {  	s3 =	sadd.s32 $0x88, s3;
	s6 =	simm.s32 @!p1 $0x1082;
	[sflag:s4] =	ssyncset.s32 $0xFFFFF086  }
0x25: {  	[simem:s6], [sflag:s4] =	dma.local [hbm:s3], $0xF7A  }
0x26: {  	[smem:$0x3F93] =	sst s1;
	(tag) =	ssettag s2;
	_ =	strace s9  }
0x27: {  	s1 =	sld [smem:$0x3FA3]  }
0x28: {  	s2 =	sld [smem:$0x3FA4]  }
0x29: {  	s4 =	sld [smem:$0x3FA6]  }
0x2a: {  	p0 =	seq.s32 s5, $0x0;
	s5 =	sld [smem:$0x3FA7]  }
0x2b: {  	s6 =	sld [smem:$0x3FA8]  }
0x2c: {  	s7 =	sld [smem:$0x3FA9]  }
0x2d: {  	s3 =	simm.s32 $0x108;
	s8 =	sld [smem:$0x3FAA]  }
0x2e: {  	s3 =	simm.s32 @!p0 $0x1082;
	s9 =	sld [smem:$0x3FAB]  }
0x2f: {  	lr =	sadd.s32 s0, s3;
	s0 =	sld [smem:$0x3FA2]  }
0x30: {  	s3 =	sld [smem:$0x3FA5]  }
0x31: {  	[smem:$0x3FAE] =	sst s10  }
0x32: {  	s10 =	sld [smem:$0x3FAC];
	_ =	sdelay $0x3  }
0x33: {  	p0 =	seq.s32 s10, $0x1;
	s10 =	sld [smem:$0x3FAE];
	_ =	sdelay $0x3  }
0x34: {  	[smem:$0x3FAE] =	sst s10  }
0x35: {  	s10 =	sld [smem:$0x3FAD];
	_ =	sdelay $0x3  }
0x36: {  	p1 =	seq.s32 s10, $0x1;
	s10 =	sld [smem:$0x3FAE];
	_ =	sdelay $0x3  }
0x37: {  	[smem:$0x3FAE] =	sst s10  }
0x38: {  	s10 =	sld [smem:$0x3FAF]  }
0x39: {  	_ = 	snop;
	(pc) =	sbr.ind lr, $3  }
0x3a: {  	_ = 	snop  }
0x3b: {  	_ = 	snop  }
0x3c: {  	p2 =	seq.s32 s10, $0x1;
	s10 =	sld [smem:$0x3FAE]  }
0x3d: {  	_ =	shalt  }
0x3e: {  	_ =	shalt  }
0x3f: {  	_ =	shalt  }
0x40: {  	_ =	shalt  }
0x41: {  	_ =	shalt  }
0x42: {  	_ =	shalt  }
0x43: {  	_ =	shalt  }
0x44: {  	_ =	shalt  }
0x45: {  	_ =	shalt  }
0x46: {  	_ =	shalt  }
0x47: {  	_ =	shalt  }
0x48: {  	_ =	shalt  }
0x49: {  	_ =	shalt  }
0x4a: {  	_ =	shalt  }
0x4b: {  	_ =	shalt  }
0x4c: {  	_ =	shalt  }
0x4d: {  	_ =	shalt  }
0x4e: {  	_ =	shalt  }
0x4f: {  	_ =	shalt  }
0x50: {  	_ =	shalt  }
0x51: {  	_ =	shalt  }
0x52: {  	_ =	shalt  }
0x53: {  	_ =	shalt  }
0x54: {  	_ =	shalt  }
0x55: {  	_ =	shalt  }
0x56: {  	_ =	shalt  }
0x57: {  	_ =	shalt  }
0x58: {  	_ =	shalt  }
0x59: {  	_ =	shalt  }
0x5a: {  	_ =	shalt  }
0x5b: {  	_ =	shalt  }
0x5c: {  	_ =	shalt  }
0x5d: {  	_ =	shalt  }
0x5e: {  	_ =	shalt  }
0x5f: {  	_ =	shalt  }
0x60: {  	_ =	shalt  }
0x61: {  	_ =	shalt  }
0x62: {  	_ =	shalt  }
0x63: {  	_ =	shalt  }
0x64: {  	_ =	shalt  }
0x65: {  	_ =	shalt  }
0x66: {  	_ =	shalt  }
0x67: {  	_ =	shalt  }
0x68: {  	_ =	shalt  }
0x69: {  	_ =	shalt  }
0x6a: {  	_ =	shalt  }
0x6b: {  	_ =	shalt  }
0x6c: {  	_ =	shalt  }
0x6d: {  	_ =	shalt  }
0x6e: {  	_ =	shalt  }
0x6f: {  	_ =	shalt  }
0x70: {  	_ =	shalt  }
0x71: {  	_ =	shalt  }
0x72: {  	_ =	shalt  }
0x73: {  	_ =	shalt  }
0x74: {  	_ =	shalt  }
0x75: {  	_ =	shalt  }
0x76: {  	_ =	shalt  }
0x77: {  	_ =	shalt  }
0x78: {  	_ =	shalt  }
0x79: {  	_ =	shalt  }
0x7a: {  	_ =	shalt  }
0x7b: {  	_ =	shalt  }
0x7c: {  	_ =	shalt  }
0x7d: {  	_ =	shalt  }
0x7e: {  	_ =	shalt  }
0x7f: {  	_ =	shalt  }
0x80: {  	_ =	shalt  }
0x81: {  	_ =	shalt  }
0x82: {  	_ =	shalt  }
0x83: {  	_ =	shalt  }
0x84: {  	_ =	shalt  }
0x85: {  	_ =	shalt  }
0x86: {  	_ =	shalt  }
0x87: {  	_ =	shalt  }
.Lfunc_end0:
.L_simem_size_0:
called_computation.2_lowered:
.L_overlay_start_0:
0x88: {  	s2 =	sld [smem:$0x3FD9]  }
0x89: {  	s3 =	sld [smem:$0x3FFE];
	_ =	sdelay $0x1  }
0x8a: {  	s1 =	srdreg.scid  }
0x8b: {  	s0 =	sand.u32 $0x1, s1  }
0x8c: {  	s16 =	sshll.u32 s0, $0xA;
	s2 =	sadd.s32 s3, s2  }
0x8d: {  	s2 =	sadd.s32 s2, s16  }
0x8e: {  	[smem:$0x3FBA] =	sst s2  }
0x8f: {  	_ = 	snop  }
0x90: {  	(tm) =	ssettm $0x1  }
0x91: {  	s17 =	sld [smem:$0x3FFB];
	_ =	sdelay $0x3  }
0x92: {  	_ =	strace s17  }
0x93: {  	s2 =	sld [smem:$0x3FFC];
	_ =	sdelay $0x3  }
0x94: {  	_ =	strace s2  }
0x95: {  	s2 =	sld [smem:$0x3FFD];
	_ =	sdelay $0x3  }
0x96: {  	_ =	strace s2  }
0x97: {  	_ =	strace $0x8FFFFFFF  }
0x98: {  	s18 =	sld [smem:$0x3FDB];
	_ =	sdelay $0x1  }
0x99: {  	s19 =	simm.s32 $_scs_section_size  }
0x9a: {  	s4 =	simm.s32 $_size__tile_overlayer_lowered;
	s5 =	simm.s32 $_tile_overlayer_lowered  }
0x9b: {  	s22 =	simm.s32 $0x1BFF;
	s21 =	sshll.u32 s5, $0x1;
	s2 =	sadd.s32 s19, s18  }
0x9c: {  	s6 =	simm.s32 $0x0;
	s20 =	sshll.u32 s4, $0x1;
	s4 =	sadd.s32 s21, s2  }
0x9d: {  	[timem:s6], [sflag:s22] =	dma.local [hbm:s4], s20  }
0x9e: {  	_ =	swait.ge [sflag:s22], s20  }
0x9f: {  	s3 =	ssub.s32 $0x0, s20;
	[sflag:s22] =	ssyncset.done $0x0  }
0xa0: {  	[sflag:s22] =	ssyncadd.s32 s3;
	_ =	sdelay $0x1  }
0xa1: {  	s23 =	simm.s32 $0x1B8B  }
0xa2: {  	_ =	swait.ge [sflag:s23], $0x1  }
0xa3: {  	[sflag:s23] =	ssyncset.done $0x0  }
0xa4: {  	s25 =	simm.s32 $0x1B8E;
	s24 =	sld [smem:$0x3FFE];
	[sflag:s23] =	ssyncadd.s32 $0xFFFFFFFF  }
0xa5: {  	s26 =	simm.s32 $execute0_lowered;
	[smem:$0x3FD2] =	sst s25  }
0xa6: {  	s4 =	sshll.u32 s26, $0x1;
	_ =	strace $0x8000004C;
	[dreg:$0x1] =	wrdreg $0xFFFFFFFF  }
0xa7: {  	s28 =	simm.s32 $_size_execute0_lowered;
	s2 =	sadd.s32 s2, s4;
	[dreg:$0x0] =	wrdreg $0x0  }
0xa8: {  	s4 =	sshll.u32 s28, $0x1;
	[dreg:$0x2] =	wrdreg s2  }
0xa9: {  	[dreg:$0x3] =	wrdreg s4  }
0xaa: {  	[dreg:$0x4] =	wrdreg $0xC0  }
0xab: {  	_ =	task [dreg:s6], $0x5FFFF  }
0xac: {  	[dreg:$0x1] =	wrdreg $0xFFFFFFFF  }
0xad: {  	[dreg:$0x0] =	wrdreg $0x60  }
0xae: {  	[dreg:$0x2] =	wrdreg s24  }
0xaf: {  	[dreg:$0x3] =	wrdreg $0x9  }
0xb0: {  	_ =	task.clear_ibuf [dreg:s6], $0x4FFFF;
	_ =	strace $0x9000004C  }
0xb1: {  	s29 =	simm.s32 $0x9;
	_ =	strace $0x8000004E  }
0xb2: {  	_ =	swait.ge [sflag:s29], $0x1  }
0xb3: {  	[sflag:s29] =	ssyncadd.s32 $0xFFFFFFFF  }
0xb4: {  	_ =	strace $0x9000004E  }
0xb5: {  	_ =	sfence  }
0xb6: {  	s30 =	sld [smem:$0x0];
	_ =	sdelay $0x2  }
0xb7: {  	s31 =	sshll.u32 s1, $0xD;
	s1 =	sshrl.u32 s1, $0x2  }
0xb8: {  	s3 =	sand.u32 $0x4000, s31;
	s1 =	sadd.s32 s1, s30  }
0xb9: {  	s0 =	sor.u32 s3, s0;
	s1 =	sshll.u32 s1, $0x11  }
0xba: {  	s0 =	sor.u32 s1, s0  }
0xbb: {  	s0 =	sadd.s32 $0x8F2B, s0  }
0xbc: {  	[sflag:s0] =	ssyncadd.remote.s32 $0x1  }
0xbd: {  	_ =	sfence.sel $0xFFFF  }
0xbe: {  	[dreg:$0x0] =	wrdreg $0xFFFFFFFF;
	(pc) =	sbr.abs _section_cstart, $3  }
0xbf: {  	[dreg:$0x1] =	wrdreg $0xFFFFFFFF  }
0xc0: {  	_ =	task.clear_ibuf [dreg:s6], $0x2FFFF;
	_ =	strace $0x9FFFFFFF  }
0xc1: {  	(tm) =	ssettm $0x7FFFFFFF  }
tec
execute0_lowered:
.L_overlay_start_1:
0x0: {  	(tag) =	ssettag $0x1  }
0x1: {  	s1 =	srdreg.scid  }
0x2: {  	s0 =	stileid.u32;
	s6 =	sand.u32 $0x1, s1  }
0x3: {  	s8 =	rddreg [dreg:$0x0];
	s30 =	sshll.u32 s0, $0x8;
	s2 =	sshll.u32 s6, $0x7  }
0x4: {  	s7 =	simm.s32 $0x1;
	s1 =	rddreg [dreg:$0x1];
	s9 =	sor.u32 s2, s30  }
0x5: {  	s5 =	sadd.s32 $0x2C00, s8;
	s2 =	simm.s32 $0x0;
	s3 =	sshrl.u32 s9, $0x3  }
0x6: {  	s10 =	ssub.s32 $0x2, s6;
	[smem:$0x7FF] =	sst s2;
	s3 =	sadd.s32 s3, s8  }
0x7: {  	_ =	strace $0x8000004D;
	s4 =	sadd.s32 $0x43000, s3;
	s3 =	simm.s32 $0x2  }
0x8: {  	[tilespmem:s2], [sflag:$0x2] =	stream.linear.gather [hbm4b:s4+s2], $0x80, $0x38;
	[tilespmem:$0x4080] =	vst v63  }
0x9: {  	s6 =	simm.s32 $0x80;
	s11 =	sshrl.u32 s10, $0x1;
	_ =	swait.ge [sflag:s3], $0x80  }
0xa: {  	s9 =	sshll.u32 s9, $0x4;
	s31 =	ssub.s32 s10, s11;
	[sflag:s3] =	ssyncset.done $0x0  }
0xb: {  	s8 =	sadd.s32 s9, s8;
	s9 =	smax.u32 s31, $0x1;
	[sflag:s3] =	ssyncadd.s32 $0xFFFFFF80  }
0xc: {  	[tilespmem:s6], [sflag:$0x1] =	stream.indirect.gather [hbm4b:s5+s6], $0x80, s2, s6, $0xb8;
	[tilespmem:$0x4080] =	vst v63  }
0xd: {  	p0 =	sne.s32 s9, $0x1;
	_ =	swait.ge [sflag:s7], $0x4000  }
.Ltmp0:
0xe: {  	[sflag:s7] =	ssyncset.done $0x0;
	(pc) =	sbr.rel @!p0 .LBB2_2-.Ltmp0, $4  }
0xf: {  	s8 =	sadd.s32 $0x12C00, s8;
	[sflag:s7] =	ssyncadd.s32 $0xFFFFC000  }
0x10: {  	[hbm4b:s8+s2] =	stream.linear.scatter [tilespmem:s6], [sflag:$0x2], $0x4000, $0x38;
	[tilespmem:$0x4080] =	vst v63  }
0x11: {  	_ =	swait.ge [sflag:s3], $0x4000  }
0x12: {  	s9 =	sadd.s32 $0xFFFFFFFF, s9;
	[sflag:s3] =	ssyncset.done $0x0  }
.LBB2_1:
0x13: {  	p0 =	sne.s32 s9, $0x1;
	s9 =	sadd.s32 $0xFFFFFFFF, s9;
	[sflag:s3] =	ssyncadd.s32 $0xFFFFC000  }
0x14: {  	[tilespmem:s2], [sflag:$0x2] =	stream.linear.gather [hbm4b:s4+s2], $0x80, $0x38;
	[tilespmem:$0x4080] =	vst v63  }
0x15: {  	_ =	swait.ge [sflag:s3], $0x80  }
0x16: {  	[sflag:s3] =	ssyncset.done $0x0  }
0x17: {  	[sflag:s3] =	ssyncadd.s32 $0xFFFFFF80  }
0x18: {  	[tilespmem:s6], [sflag:$0x1] =	stream.indirect.gather [hbm4b:s5+s6], $0x80, s2, s6, $0xb8;
	[tilespmem:$0x4080] =	vst v63  }
0x19: {  	_ =	swait.ge [sflag:s7], $0x4000  }
.Ltmp1:
0x1a: {  	[sflag:s7] =	ssyncset.done $0x0;
	(pc) =	sbr.rel @p0 .LBB2_1-.Ltmp1, $4  }
0x1b: {  	[sflag:s7] =	ssyncadd.s32 $0xFFFFC000  }
0x1c: {  	[hbm4b:s8+s2] =	stream.linear.scatter [tilespmem:s6], [sflag:$0x2], $0x4000, $0x38;
	[tilespmem:$0x4080] =	vst v63  }
0x1d: {  	_ =	swait.ge [sflag:s3], $0x4000  }
0x1e: {  	[sflag:s3] =	ssyncset.done $0x0  }
.LBB2_2:
0x1f: {  	[sflag:s3] =	ssyncadd.s32 $0xFFFFC000  }
0x20: {  	_ =	sfence.sel $0x180000  }
0x21: {  	[bflag:$0x0] =	sbarrier.arrive $0xFFFF  }
0x22: {  	p0 =	sne.s32 s0, $0x0;
	_ =	strace $0x9000004D  }
0x23: {  	s0 =	sadd.s32 @!p0 $0x100000, s1;
	[bflag:$0x2] =	sbarrier.arrive $0xFFFF  }
0x24: {  	[sflag:s0] =	ssyncadd.tile.s32 @!p0 $0x1;
	_ =	shalt  }
.Lfunc_end2:
_tile_overlayer_lowered:
.L_overlay_start_2:
0x25: {  	(tag) =	ssettag $0x2  }
0x26: {  	s0 =	rddreg [dreg:$0x0];
	s2 =	stileid.u32  }
0x27: {  	s1 =	rddreg [dreg:$0x1];
	p0 =	sne.s32 s2, $0x0  }
0x28: {  	s3 =	rddreg [dreg:$0x2];
	[bflag:$0x3] =	sbarrier.arrive $0xFFFF;
	s2 =	simm.s32 @!p0 $0x1C02  }
0x29: {  	[timem:s3], [sflag:s2] =	dma.local @!p0 [hbm:s0], s1  }
0x2a: {  	s0 =	simm.s32 @!p0 $0x2  }
0x2b: {  	_ =	swait.ge @!p0 [sflag:s0], s1  }
0x2c: {  	s1 =	ssub.s32 @!p0 $0x0, s1;
	[sflag:s0] =	ssyncset.done @!p0 $0x0  }
0x2d: {  	[sflag:s0] =	ssyncadd.s32 @!p0 s1  }
0x2e: {  	[bflag:$0x3] =	sbarrier.arrive $0xFFFF  }
0x2f: {  	_ =	shalt  }

</sc_bundles>
